<compile_context>
chip_gen: v7x
topology: tpu7x:2x2x1
jax: 0.10.2.dev20260603
libtpu: 0.0.44.dev20260713+nightly
codegen_flags: <defaults>
</compile_context>

<pallas_src>
import functools

import jax
import jax.numpy as jnp
from jax import lax
from jax.experimental import pallas as pl
from jax.experimental.pallas import tpu as pltpu
from jax.experimental.pallas import tpu_sc as plsc

_CHUNK = 16
_NBUF = 7


@functools.lru_cache(maxsize=None)
def _build(seq, dim, vocab_max):
    info = plsc.get_sparse_core_info()
    nc, ns, lanes = info.num_cores, info.num_subcores, info.num_lanes
    nw = nc * ns
    bpw = seq // nw
    ch = _CHUNK
    nchunk = bpw // ch
    nbuf = min(_NBUF, nchunk)

    mesh = plsc.VectorSubcoreMesh(core_axis_name="c", subcore_axis_name="s")

    @functools.partial(
        pl.kernel,
        mesh=mesh,
        out_type=jax.ShapeDtypeStruct((seq, dim), jnp.float32),
        scratch_types=(
            [pltpu.VMEM((bpw,), jnp.int32),
             pltpu.VMEM((lanes,), jnp.int32),
             pltpu.VMEM((nbuf, ch, dim), jnp.float32),
             pltpu.SemaphoreType.DMA,
             pltpu.SemaphoreType.DMA,
             pltpu.SemaphoreType.DMA((nbuf,)),
             pltpu.SemaphoreType.DMA((nbuf,))]
        ),
    )
    def run(tok_hbm, grp_hbm, table_hbm, out_hbm, idx_v, grp_v, rows_v,
            isem, psem, gsems, ssems):
        gsem = [gsems.at[b] for b in range(nbuf)]
        ssem = [ssems.at[b] for b in range(nbuf)]
        wid = lax.axis_index("s") * nc + lax.axis_index("c")
        base = wid * bpw

        icp = pltpu.make_async_copy(tok_hbm.at[pl.ds(base, bpw)], idx_v, isem)
        pcp = pltpu.make_async_copy(grp_hbm, grp_v, psem)
        icp.start()
        pcp.start()
        icp.wait()
        pcp.wait()
        gofs = grp_v[...] * vocab_max

        def offset(c):
            for i in range(c * ch // lanes, (c + 1) * ch // lanes):
                sl = pl.ds(i * lanes, lanes)
                idx_v[sl] = idx_v[sl] + gofs

        gathers = []
        stores = []
        for c in range(nchunk):
            b = c % nbuf
            gathers.append(pltpu.make_async_copy(
                table_hbm.at[idx_v.at[pl.ds(c * ch, ch)]], rows_v.at[b],
                gsem[b]))
            stores.append(pltpu.make_async_copy(
                rows_v.at[b], out_hbm.at[pl.ds(base + c * ch, ch)], ssem[b]))

        for c in range(nbuf):
            offset(c)
            gathers[c].start()
        for c in range(nbuf, nchunk):
            offset(c)
        for c in range(nchunk):
            gathers[c].wait()
            stores[c].start()
            nxt = c + nbuf
            if nxt < nchunk:
                stores[c].wait()
                gathers[nxt].start()
        for c in range(max(0, nchunk - nbuf), nchunk):
            stores[c].wait()

    return run


def kernel(token_id, group_idx, stacked_embeds):
    seq, = token_id.shape
    g, vocab_max, dim = stacked_embeds.shape
    tok = token_id.astype(jnp.int32)
    grp = jnp.broadcast_to(group_idx.astype(jnp.int32), (16,))
    table = stacked_embeds.reshape(g * vocab_max, dim)
    out = _build(seq, dim, vocab_max)(tok, grp, table)
    return out[None]

# --- scband reference (transcript-rebuilt; emitter-appended) ---
"""Pipeline reference for scband-codec-embed-export-43645457662694 (READ-ONLY COPY).

The authoritative reference and input builder live on the scoring server;
editing this copy changes nothing except your own understanding.
"""

import jax, jax.numpy as jnp
import numpy as np

NUM_GROUPS = 16
VOCAB_MAX = 3072
CP_VOCAB = 2048
DIM = 1024
SEQ = 4096


def setup_inputs(seed: int = 0) -> dict:
    key = jax.random.key(seed)
    k1, k2, k3 = jax.random.split(key, 3)
    # Stacked embedding buffer: group 0 is the main codec (vocab 3072),
    # groups 1..15 are cp codecs (vocab 2048) zero-padded to vocab_max=3072.
    stacked = jax.random.normal(k1, (NUM_GROUPS, VOCAB_MAX, DIM), dtype=jnp.float32) * 0.02
    valid_vocab = jnp.where(jnp.arange(NUM_GROUPS) == 0, VOCAB_MAX, CP_VOCAB)  # [G]
    mask = (jnp.arange(VOCAB_MAX)[None, :, None] < valid_vocab[:, None, None]).astype(jnp.float32)
    stacked = stacked * mask
    token_id = jax.random.randint(k2, (SEQ,), 0, CP_VOCAB, dtype=jnp.int64 if jax.config.jax_enable_x64 else jnp.int32)
    group_idx = jax.random.randint(k3, (1,), 0, NUM_GROUPS, dtype=jnp.int64 if jax.config.jax_enable_x64 else jnp.int32)
    return {"token_id": token_id, "group_idx": group_idx, "stacked_embeds": stacked}


def reference(token_id, group_idx, stacked_embeds):
    # table = torch.index_select(self.stacked_embeds, 0, group_idx).squeeze(0)
    table = jnp.take(stacked_embeds, group_idx, axis=0)  # [1, vocab_max, dim]
    table = jnp.squeeze(table, axis=0)                   # [vocab_max, dim]
    # F.embedding(token_id, table).unsqueeze(0)
    out = jnp.take(table, token_id, axis=0)              # [seq, dim]
    return out[None, ...]                                # [1, seq, dim]

if __name__ == "__main__":
    import jax
    _d = setup_inputs()
    print(jax.jit(kernel)(*tuple(_d.values())))

</pallas_src>

<mosaic_0001>
#map = affine_map<(d0, d1) -> (0)>
#map1 = affine_map<(d0, d1) -> (0, 0)>
module attributes {stable_mosaic.version = 14 : i64} {
  func.func @run(%arg0: i32, %arg1: i32, %arg2: memref<4096xi32, #tpu.memory_space<hbm>>, %arg3: memref<16xi32, #tpu.memory_space<hbm>>, %arg4: memref<49152x1024xf32, #tpu.memory_space<hbm>>, %arg5: memref<4096x1024xf32, #tpu.memory_space<hbm>>, %arg6: memref<128xi32, #tpu.memory_space<vmem>>, %arg7: memref<16xi32, #tpu.memory_space<vmem>>, %arg8: memref<7x16x1024xf32, #tpu.memory_space<vmem>>, %arg9: memref<!tpu.dma_semaphore, #tpu.memory_space<semaphore_mem>>, %arg10: memref<!tpu.dma_semaphore, #tpu.memory_space<semaphore_mem>>, %arg11: memref<7x!tpu.dma_semaphore, #tpu.memory_space<semaphore_mem>>, %arg12: memref<7x!tpu.dma_semaphore, #tpu.memory_space<semaphore_mem>>) attributes {dimension_semantics = [#tpu.dimension_semantics<core_parallel>, #tpu.dimension_semantics<subcore_parallel>], iteration_bounds = array<i64: 2, 16>, scalar_prefetch = 0 : i64, scratch_operands = 7 : i64, tpu.core_type = #tpu.core_type<sc_vector_subcore>, window_params = [{transform_indices = #map}, {transform_indices = #map}, {transform_indices = #map1}, {transform_indices = #map1}]} {
    %mul3A = arith.constant 2 : i32
    %mul3A_0 = arith.muli %arg1, %mul3A : i32
    %add3A = arith.addi %mul3A_0, %arg0 : i32
    %mul3A_1 = arith.constant 128 : i32
    %mul3A_2 = arith.muli %add3A, %mul3A_1 : i32
    %dma_start3A = tpu.memref_slice %arg2[%mul3A_2] : memref<4096xi32, #tpu.memory_space<hbm>> -> memref<128xi32, #tpu.memory_space<hbm>>
    %dma_start3A_3 = tpu.memref_slice %arg2[%mul3A_2] : memref<4096xi32, #tpu.memory_space<hbm>> -> memref<128xi32, #tpu.memory_space<hbm>>
    tpu.enqueue_dma source(%dma_start3A_3 : memref<128xi32, #tpu.memory_space<hbm>>) target(%arg6 : memref<128xi32, #tpu.memory_space<vmem>>) target_semaphore(%arg9 : memref<!tpu.dma_semaphore, #tpu.memory_space<semaphore_mem>>)
    tpu.enqueue_dma source(%arg3 : memref<16xi32, #tpu.memory_space<hbm>>) target(%arg7 : memref<16xi32, #tpu.memory_space<vmem>>) target_semaphore(%arg10 : memref<!tpu.dma_semaphore, #tpu.memory_space<semaphore_mem>>)
    %dma_wait3A = tpu.memref_slice %arg2[%mul3A_2] : memref<4096xi32, #tpu.memory_space<hbm>> -> memref<128xi32, #tpu.memory_space<hbm>>
    %dma_wait3A_4 = tpu.memref_slice %arg2[%mul3A_2] : memref<4096xi32, #tpu.memory_space<hbm>> -> memref<128xi32, #tpu.memory_space<hbm>>
    tpu.wait_dma2 semaphore(%arg9 : memref<!tpu.dma_semaphore, #tpu.memory_space<semaphore_mem>>) src(%dma_wait3A_4 : memref<128xi32, #tpu.memory_space<hbm>>) dst(%arg6 : memref<128xi32, #tpu.memory_space<vmem>>)
    tpu.wait_dma2 semaphore(%arg10 : memref<!tpu.dma_semaphore, #tpu.memory_space<semaphore_mem>>) src(%arg3 : memref<16xi32, #tpu.memory_space<hbm>>) dst(%arg7 : memref<16xi32, #tpu.memory_space<vmem>>)
    %get3A = arith.constant 0 : index
    %get3A_5 = tpu.vector_load %arg7[%get3A] {strides = array<i32>} : memref<16xi32, #tpu.memory_space<vmem>>, vector<16xi32>,
    %get3A_6 = vector.shape_cast %get3A_5 : vector<16xi32> to vector<16xi32>
    %mul3A_7 = arith.constant 3072 : i32
    %mul3A_8 = vector.broadcast %mul3A_7 : i32 to vector<16xi32>
    %mul3A_9 = arith.muli %get3A_6, %mul3A_8 : vector<16xi32>
    %add3A_10 = arith.constant 0 : i32
    %add3A_11 = arith.addi %mul3A_2, %add3A_10 : i32
    %add3A_12 = arith.constant 16 : i32
    %add3A_13 = arith.addi %mul3A_2, %add3A_12 : i32
    %add3A_14 = arith.constant 32 : i32
    %add3A_15 = arith.addi %mul3A_2, %add3A_14 : i32
    %add3A_16 = arith.constant 48 : i32
    %add3A_17 = arith.addi %mul3A_2, %add3A_16 : i32
    %add3A_18 = arith.constant 64 : i32
    %add3A_19 = arith.addi %mul3A_2, %add3A_18 : i32
    %add3A_20 = arith.constant 80 : i32
    %add3A_21 = arith.addi %mul3A_2, %add3A_20 : i32
    %add3A_22 = arith.constant 96 : i32
    %add3A_23 = arith.addi %mul3A_2, %add3A_22 : i32
    %add3A_24 = arith.constant 112 : i32
    %add3A_25 = arith.addi %mul3A_2, %add3A_24 : i32
    %get3A_26 = arith.constant 0 : index
    %get3A_27 = tpu.vector_load %arg6[%get3A_26] {strides = array<i32>} : memref<128xi32, #tpu.memory_space<vmem>>, vector<16xi32>,
    %get3A_28 = vector.shape_cast %get3A_27 : vector<16xi32> to vector<16xi32>
    %add3A_29 = arith.addi %get3A_28, %mul3A_9 : vector<16xi32>
    %swap3A = arith.constant 0 : index
    %swap3A_30 = tpu.vector_load %arg6[%swap3A] {strides = array<i32>} : memref<128xi32, #tpu.memory_space<vmem>>, vector<16xi32>,
    %swap3A_31 = vector.shape_cast %swap3A_30 : vector<16xi32> to vector<16xi32>
    %swap3A_32 = vector.shape_cast %add3A_29 : vector<16xi32> to vector<16xi32>
    tpu.vector_store %arg6[%swap3A], %swap3A_32 {strides = array<i32>} : memref<128xi32, #tpu.memory_space<vmem>>, vector<16xi32>,
    %dma_start3A_33 = arith.constant 0 : i32
    %dma_start3A_34 = arith.constant 0 : i32
    %dma_start3A_35 = arith.constant 0 : i32
    %dma_start3A_36 = arith.constant 0 : i32
    %dma_start3A_37 = tpu.memref_slice %arg8[%dma_start3A_33, %dma_start3A_35, %dma_start3A_36] : memref<7x16x1024xf32, #tpu.memory_space<vmem>> -> memref<1x16x1024xf32, #tpu.memory_space<vmem>>
    %dma_start3A_38 = tpu.memref_squeeze %dma_start3A_37 : memref<1x16x1024xf32, #tpu.memory_space<vmem>> -> memref<16x1024xf32, #tpu.memory_space<vmem>>
    %dma_start3A_39 = arith.constant 0 : i32
    %dma_start3A_40 = tpu.memref_slice %arg6[%dma_start3A_39] : memref<128xi32, #tpu.memory_space<vmem>> -> memref<16xi32, #tpu.memory_space<vmem>>
    %dma_start3A_41 = arith.constant 0 : i32
    %dma_start3A_42 = arith.constant 0 : i32
    %dma_start3A_43 = tpu.memref_slice %arg4[%dma_start3A_41, %dma_start3A_42] : memref<49152x1024xf32, #tpu.memory_space<hbm>> -> memref<49152x1024xf32, #tpu.memory_space<hbm>>
    %dma_start3A_44 = tpu.memref_slice %arg11[%dma_start3A_34] : memref<7x!tpu.dma_semaphore, #tpu.memory_space<semaphore_mem>> -> memref<1x!tpu.dma_semaphore, #tpu.memory_space<semaphore_mem>>
    %dma_start3A_45 = tpu.memref_squeeze %dma_start3A_44 : memref<1x!tpu.dma_semaphore, #tpu.memory_space<semaphore_mem>> -> memref<!tpu.dma_semaphore, #tpu.memory_space<semaphore_mem>>
    tpu.enqueue_indirect_dma source(%dma_start3A_43 : memref<49152x1024xf32, #tpu.memory_space<hbm>>) target(%dma_start3A_38 : memref<16x1024xf32, #tpu.memory_space<vmem>>) offsets(%dma_start3A_40 : memref<16xi32, #tpu.memory_space<vmem>>) semaphore(%dma_start3A_45 : memref<!tpu.dma_semaphore, #tpu.memory_space<semaphore_mem>>)
    %get3A_46 = arith.constant 16 : index
    %get3A_47 = tpu.vector_load %arg6[%get3A_46] {strides = array<i32>} : memref<128xi32, #tpu.memory_space<vmem>>, vector<16xi32>,
    %get3A_48 = vector.shape_cast %get3A_47 : vector<16xi32> to vector<16xi32>
    %add3A_49 = arith.addi %get3A_48, %mul3A_9 : vector<16xi32>
    %swap3A_50 = arith.constant 16 : index
    %swap3A_51 = tpu.vector_load %arg6[%swap3A_50] {strides = array<i32>} : memref<128xi32, #tpu.memory_space<vmem>>, vector<16xi32>,
    %swap3A_52 = vector.shape_cast %swap3A_51 : vector<16xi32> to vector<16xi32>
    %swap3A_53 = vector.shape_cast %add3A_49 : vector<16xi32> to vector<16xi32>
    tpu.vector_store %arg6[%swap3A_50], %swap3A_53 {strides = array<i32>} : memref<128xi32, #tpu.memory_space<vmem>>, vector<16xi32>,
    %dma_start3A_54 = arith.constant 1 : i32
    %dma_start3A_55 = arith.constant 1 : i32
    %dma_start3A_56 = arith.constant 0 : i32
    %dma_start3A_57 = arith.constant 0 : i32
    %dma_start3A_58 = tpu.memref_slice %arg8[%dma_start3A_54, %dma_start3A_56, %dma_start3A_57] : memref<7x16x1024xf32, #tpu.memory_space<vmem>> -> memref<1x16x1024xf32, #tpu.memory_space<vmem>>
    %dma_start3A_59 = tpu.memref_squeeze %dma_start3A_58 : memref<1x16x1024xf32, #tpu.memory_space<vmem>> -> memref<16x1024xf32, #tpu.memory_space<vmem>>
    %dma_start3A_60 = arith.constant 16 : i32
    %dma_start3A_61 = tpu.memref_slice %arg6[%dma_start3A_60] : memref<128xi32, #tpu.memory_space<vmem>> -> memref<16xi32, #tpu.memory_space<vmem>>
    %dma_start3A_62 = arith.constant 0 : i32
    %dma_start3A_63 = arith.constant 0 : i32
    %dma_start3A_64 = tpu.memref_slice %arg4[%dma_start3A_62, %dma_start3A_63] : memref<49152x1024xf32, #tpu.memory_space<hbm>> -> memref<49152x1024xf32, #tpu.memory_space<hbm>>
    %dma_start3A_65 = tpu.memref_slice %arg11[%dma_start3A_55] : memref<7x!tpu.dma_semaphore, #tpu.memory_space<semaphore_mem>> -> memref<1x!tpu.dma_semaphore, #tpu.memory_space<semaphore_mem>>
    %dma_start3A_66 = tpu.memref_squeeze %dma_start3A_65 : memref<1x!tpu.dma_semaphore, #tpu.memory_space<semaphore_mem>> -> memref<!tpu.dma_semaphore, #tpu.memory_space<semaphore_mem>>
    tpu.enqueue_indirect_dma source(%dma_start3A_64 : memref<49152x1024xf32, #tpu.memory_space<hbm>>) target(%dma_start3A_59 : memref<16x1024xf32, #tpu.memory_space<vmem>>) offsets(%dma_start3A_61 : memref<16xi32, #tpu.memory_space<vmem>>) semaphore(%dma_start3A_66 : memref<!tpu.dma_semaphore, #tpu.memory_space<semaphore_mem>>)
    %get3A_67 = arith.constant 32 : index
    %get3A_68 = tpu.vector_load %arg6[%get3A_67] {strides = array<i32>} : memref<128xi32, #tpu.memory_space<vmem>>, vector<16xi32>,
    %get3A_69 = vector.shape_cast %get3A_68 : vector<16xi32> to vector<16xi32>
    %add3A_70 = arith.addi %get3A_69, %mul3A_9 : vector<16xi32>
    %swap3A_71 = arith.constant 32 : index
    %swap3A_72 = tpu.vector_load %arg6[%swap3A_71] {strides = array<i32>} : memref<128xi32, #tpu.memory_space<vmem>>, vector<16xi32>,
    %swap3A_73 = vector.shape_cast %swap3A_72 : vector<16xi32> to vector<16xi32>
    %swap3A_74 = vector.shape_cast %add3A_70 : vector<16xi32> to vector<16xi32>
    tpu.vector_store %arg6[%swap3A_71], %swap3A_74 {strides = array<i32>} : memref<128xi32, #tpu.memory_space<vmem>>, vector<16xi32>,
    %dma_start3A_75 = arith.constant 2 : i32
    %dma_start3A_76 = arith.constant 2 : i32
    %dma_start3A_77 = arith.constant 0 : i32
    %dma_start3A_78 = arith.constant 0 : i32
    %dma_start3A_79 = tpu.memref_slice %arg8[%dma_start3A_75, %dma_start3A_77, %dma_start3A_78] : memref<7x16x1024xf32, #tpu.memory_space<vmem>> -> memref<1x16x1024xf32, #tpu.memory_space<vmem>>
    %dma_start3A_80 = tpu.memref_squeeze %dma_start3A_79 : memref<1x16x1024xf32, #tpu.memory_space<vmem>> -> memref<16x1024xf32, #tpu.memory_space<vmem>>
    %dma_start3A_81 = arith.constant 32 : i32
    %dma_start3A_82 = tpu.memref_slice %arg6[%dma_start3A_81] : memref<128xi32, #tpu.memory_space<vmem>> -> memref<16xi32, #tpu.memory_space<vmem>>
    %dma_start3A_83 = arith.constant 0 : i32
    %dma_start3A_84 = arith.constant 0 : i32
    %dma_start3A_85 = tpu.memref_slice %arg4[%dma_start3A_83, %dma_start3A_84] : memref<49152x1024xf32, #tpu.memory_space<hbm>> -> memref<49152x1024xf32, #tpu.memory_space<hbm>>
    %dma_start3A_86 = tpu.memref_slice %arg11[%dma_start3A_76] : memref<7x!tpu.dma_semaphore, #tpu.memory_space<semaphore_mem>> -> memref<1x!tpu.dma_semaphore, #tpu.memory_space<semaphore_mem>>
    %dma_start3A_87 = tpu.memref_squeeze %dma_start3A_86 : memref<1x!tpu.dma_semaphore, #tpu.memory_space<semaphore_mem>> -> memref<!tpu.dma_semaphore, #tpu.memory_space<semaphore_mem>>
    tpu.enqueue_indirect_dma source(%dma_start3A_85 : memref<49152x1024xf32, #tpu.memory_space<hbm>>) target(%dma_start3A_80 : memref<16x1024xf32, #tpu.memory_space<vmem>>) offsets(%dma_start3A_82 : memref<16xi32, #tpu.memory_space<vmem>>) semaphore(%dma_start3A_87 : memref<!tpu.dma_semaphore, #tpu.memory_space<semaphore_mem>>)
    %get3A_88 = arith.constant 48 : index
    %get3A_89 = tpu.vector_load %arg6[%get3A_88] {strides = array<i32>} : memref<128xi32, #tpu.memory_space<vmem>>, vector<16xi32>,
    %get3A_90 = vector.shape_cast %get3A_89 : vector<16xi32> to vector<16xi32>
    %add3A_91 = arith.addi %get3A_90, %mul3A_9 : vector<16xi32>
    %swap3A_92 = arith.constant 48 : index
    %swap3A_93 = tpu.vector_load %arg6[%swap3A_92] {strides = array<i32>} : memref<128xi32, #tpu.memory_space<vmem>>, vector<16xi32>,
    %swap3A_94 = vector.shape_cast %swap3A_93 : vector<16xi32> to vector<16xi32>
    %swap3A_95 = vector.shape_cast %add3A_91 : vector<16xi32> to vector<16xi32>
    tpu.vector_store %arg6[%swap3A_92], %swap3A_95 {strides = array<i32>} : memref<128xi32, #tpu.memory_space<vmem>>, vector<16xi32>,
    %dma_start3A_96 = arith.constant 3 : i32
    %dma_start3A_97 = arith.constant 3 : i32
    %dma_start3A_98 = arith.constant 0 : i32
    %dma_start3A_99 = arith.constant 0 : i32
    %dma_start3A_100 = tpu.memref_slice %arg8[%dma_start3A_96, %dma_start3A_98, %dma_start3A_99] : memref<7x16x1024xf32, #tpu.memory_space<vmem>> -> memref<1x16x1024xf32, #tpu.memory_space<vmem>>
    %dma_start3A_101 = tpu.memref_squeeze %dma_start3A_100 : memref<1x16x1024xf32, #tpu.memory_space<vmem>> -> memref<16x1024xf32, #tpu.memory_space<vmem>>
    %dma_start3A_102 = arith.constant 48 : i32
    %dma_start3A_103 = tpu.memref_slice %arg6[%dma_start3A_102] : memref<128xi32, #tpu.memory_space<vmem>> -> memref<16xi32, #tpu.memory_space<vmem>>
    %dma_start3A_104 = arith.constant 0 : i32
    %dma_start3A_105 = arith.constant 0 : i32
    %dma_start3A_106 = tpu.memref_slice %arg4[%dma_start3A_104, %dma_start3A_105] : memref<49152x1024xf32, #tpu.memory_space<hbm>> -> memref<49152x1024xf32, #tpu.memory_space<hbm>>
    %dma_start3A_107 = tpu.memref_slice %arg11[%dma_start3A_97] : memref<7x!tpu.dma_semaphore, #tpu.memory_space<semaphore_mem>> -> memref<1x!tpu.dma_semaphore, #tpu.memory_space<semaphore_mem>>
    %dma_start3A_108 = tpu.memref_squeeze %dma_start3A_107 : memref<1x!tpu.dma_semaphore, #tpu.memory_space<semaphore_mem>> -> memref<!tpu.dma_semaphore, #tpu.memory_space<semaphore_mem>>
    tpu.enqueue_indirect_dma source(%dma_start3A_106 : memref<49152x1024xf32, #tpu.memory_space<hbm>>) target(%dma_start3A_101 : memref<16x1024xf32, #tpu.memory_space<vmem>>) offsets(%dma_start3A_103 : memref<16xi32, #tpu.memory_space<vmem>>) semaphore(%dma_start3A_108 : memref<!tpu.dma_semaphore, #tpu.memory_space<semaphore_mem>>)
    %get3A_109 = arith.constant 64 : index
    %get3A_110 = tpu.vector_load %arg6[%get3A_109] {strides = array<i32>} : memref<128xi32, #tpu.memory_space<vmem>>, vector<16xi32>,
    %get3A_111 = vector.shape_cast %get3A_110 : vector<16xi32> to vector<16xi32>
    %add3A_112 = arith.addi %get3A_111, %mul3A_9 : vector<16xi32>
    %swap3A_113 = arith.constant 64 : index
    %swap3A_114 = tpu.vector_load %arg6[%swap3A_113] {strides = array<i32>} : memref<128xi32, #tpu.memory_space<vmem>>, vector<16xi32>,
    %swap3A_115 = vector.shape_cast %swap3A_114 : vector<16xi32> to vector<16xi32>
    %swap3A_116 = vector.shape_cast %add3A_112 : vector<16xi32> to vector<16xi32>
    tpu.vector_store %arg6[%swap3A_113], %swap3A_116 {strides = array<i32>} : memref<128xi32, #tpu.memory_space<vmem>>, vector<16xi32>,
    %dma_start3A_117 = arith.constant 4 : i32
    %dma_start3A_118 = arith.constant 4 : i32
    %dma_start3A_119 = arith.constant 0 : i32
    %dma_start3A_120 = arith.constant 0 : i32
    %dma_start3A_121 = tpu.memref_slice %arg8[%dma_start3A_117, %dma_start3A_119, %dma_start3A_120] : memref<7x16x1024xf32, #tpu.memory_space<vmem>> -> memref<1x16x1024xf32, #tpu.memory_space<vmem>>
    %dma_start3A_122 = tpu.memref_squeeze %dma_start3A_121 : memref<1x16x1024xf32, #tpu.memory_space<vmem>> -> memref<16x1024xf32, #tpu.memory_space<vmem>>
    %dma_start3A_123 = arith.constant 64 : i32
    %dma_start3A_124 = tpu.memref_slice %arg6[%dma_start3A_123] : memref<128xi32, #tpu.memory_space<vmem>> -> memref<16xi32, #tpu.memory_space<vmem>>
    %dma_start3A_125 = arith.constant 0 : i32
    %dma_start3A_126 = arith.constant 0 : i32
    %dma_start3A_127 = tpu.memref_slice %arg4[%dma_start3A_125, %dma_start3A_126] : memref<49152x1024xf32, #tpu.memory_space<hbm>> -> memref<49152x1024xf32, #tpu.memory_space<hbm>>
    %dma_start3A_128 = tpu.memref_slice %arg11[%dma_start3A_118] : memref<7x!tpu.dma_semaphore, #tpu.memory_space<semaphore_mem>> -> memref<1x!tpu.dma_semaphore, #tpu.memory_space<semaphore_mem>>
    %dma_start3A_129 = tpu.memref_squeeze %dma_start3A_128 : memref<1x!tpu.dma_semaphore, #tpu.memory_space<semaphore_mem>> -> memref<!tpu.dma_semaphore, #tpu.memory_space<semaphore_mem>>
    tpu.enqueue_indirect_dma source(%dma_start3A_127 : memref<49152x1024xf32, #tpu.memory_space<hbm>>) target(%dma_start3A_122 : memref<16x1024xf32, #tpu.memory_space<vmem>>) offsets(%dma_start3A_124 : memref<16xi32, #tpu.memory_space<vmem>>) semaphore(%dma_start3A_129 : memref<!tpu.dma_semaphore, #tpu.memory_space<semaphore_mem>>)
    %get3A_130 = arith.constant 80 : index
    %get3A_131 = tpu.vector_load %arg6[%get3A_130] {strides = array<i32>} : memref<128xi32, #tpu.memory_space<vmem>>, vector<16xi32>,
    %get3A_132 = vector.shape_cast %get3A_131 : vector<16xi32> to vector<16xi32>
    %add3A_133 = arith.addi %get3A_132, %mul3A_9 : vector<16xi32>
    %swap3A_134 = arith.constant 80 : index
    %swap3A_135 = tpu.vector_load %arg6[%swap3A_134] {strides = array<i32>} : memref<128xi32, #tpu.memory_space<vmem>>, vector<16xi32>,
    %swap3A_136 = vector.shape_cast %swap3A_135 : vector<16xi32> to vector<16xi32>
    %swap3A_137 = vector.shape_cast %add3A_133 : vector<16xi32> to vector<16xi32>
    tpu.vector_store %arg6[%swap3A_134], %swap3A_137 {strides = array<i32>} : memref<128xi32, #tpu.memory_space<vmem>>, vector<16xi32>,
    %dma_start3A_138 = arith.constant 5 : i32
    %dma_start3A_139 = arith.constant 5 : i32
    %dma_start3A_140 = arith.constant 0 : i32
    %dma_start3A_141 = arith.constant 0 : i32
    %dma_start3A_142 = tpu.memref_slice %arg8[%dma_start3A_138, %dma_start3A_140, %dma_start3A_141] : memref<7x16x1024xf32, #tpu.memory_space<vmem>> -> memref<1x16x1024xf32, #tpu.memory_space<vmem>>
    %dma_start3A_143 = tpu.memref_squeeze %dma_start3A_142 : memref<1x16x1024xf32, #tpu.memory_space<vmem>> -> memref<16x1024xf32, #tpu.memory_space<vmem>>
    %dma_start3A_144 = arith.constant 80 : i32
    %dma_start3A_145 = tpu.memref_slice %arg6[%dma_start3A_144] : memref<128xi32, #tpu.memory_space<vmem>> -> memref<16xi32, #tpu.memory_space<vmem>>
    %dma_start3A_146 = arith.constant 0 : i32
    %dma_start3A_147 = arith.constant 0 : i32
    %dma_start3A_148 = tpu.memref_slice %arg4[%dma_start3A_146, %dma_start3A_147] : memref<49152x1024xf32, #tpu.memory_space<hbm>> -> memref<49152x1024xf32, #tpu.memory_space<hbm>>
    %dma_start3A_149 = tpu.memref_slice %arg11[%dma_start3A_139] : memref<7x!tpu.dma_semaphore, #tpu.memory_space<semaphore_mem>> -> memref<1x!tpu.dma_semaphore, #tpu.memory_space<semaphore_mem>>
    %dma_start3A_150 = tpu.memref_squeeze %dma_start3A_149 : memref<1x!tpu.dma_semaphore, #tpu.memory_space<semaphore_mem>> -> memref<!tpu.dma_semaphore, #tpu.memory_space<semaphore_mem>>
    tpu.enqueue_indirect_dma source(%dma_start3A_148 : memref<49152x1024xf32, #tpu.memory_space<hbm>>) target(%dma_start3A_143 : memref<16x1024xf32, #tpu.memory_space<vmem>>) offsets(%dma_start3A_145 : memref<16xi32, #tpu.memory_space<vmem>>) semaphore(%dma_start3A_150 : memref<!tpu.dma_semaphore, #tpu.memory_space<semaphore_mem>>)
    %get3A_151 = arith.constant 96 : index
    %get3A_152 = tpu.vector_load %arg6[%get3A_151] {strides = array<i32>} : memref<128xi32, #tpu.memory_space<vmem>>, vector<16xi32>,
    %get3A_153 = vector.shape_cast %get3A_152 : vector<16xi32> to vector<16xi32>
    %add3A_154 = arith.addi %get3A_153, %mul3A_9 : vector<16xi32>
    %swap3A_155 = arith.constant 96 : index
    %swap3A_156 = tpu.vector_load %arg6[%swap3A_155] {strides = array<i32>} : memref<128xi32, #tpu.memory_space<vmem>>, vector<16xi32>,
    %swap3A_157 = vector.shape_cast %swap3A_156 : vector<16xi32> to vector<16xi32>
    %swap3A_158 = vector.shape_cast %add3A_154 : vector<16xi32> to vector<16xi32>
    tpu.vector_store %arg6[%swap3A_155], %swap3A_158 {strides = array<i32>} : memref<128xi32, #tpu.memory_space<vmem>>, vector<16xi32>,
    %dma_start3A_159 = arith.constant 6 : i32
    %dma_start3A_160 = arith.constant 6 : i32
    %dma_start3A_161 = arith.constant 0 : i32
    %dma_start3A_162 = arith.constant 0 : i32
    %dma_start3A_163 = tpu.memref_slice %arg8[%dma_start3A_159, %dma_start3A_161, %dma_start3A_162] : memref<7x16x1024xf32, #tpu.memory_space<vmem>> -> memref<1x16x1024xf32, #tpu.memory_space<vmem>>
    %dma_start3A_164 = tpu.memref_squeeze %dma_start3A_163 : memref<1x16x1024xf32, #tpu.memory_space<vmem>> -> memref<16x1024xf32, #tpu.memory_space<vmem>>
    %dma_start3A_165 = arith.constant 96 : i32
    %dma_start3A_166 = tpu.memref_slice %arg6[%dma_start3A_165] : memref<128xi32, #tpu.memory_space<vmem>> -> memref<16xi32, #tpu.memory_space<vmem>>
    %dma_start3A_167 = arith.constant 0 : i32
    %dma_start3A_168 = arith.constant 0 : i32
    %dma_start3A_169 = tpu.memref_slice %arg4[%dma_start3A_167, %dma_start3A_168] : memref<49152x1024xf32, #tpu.memory_space<hbm>> -> memref<49152x1024xf32, #tpu.memory_space<hbm>>
    %dma_start3A_170 = tpu.memref_slice %arg11[%dma_start3A_160] : memref<7x!tpu.dma_semaphore, #tpu.memory_space<semaphore_mem>> -> memref<1x!tpu.dma_semaphore, #tpu.memory_space<semaphore_mem>>
    %dma_start3A_171 = tpu.memref_squeeze %dma_start3A_170 : memref<1x!tpu.dma_semaphore, #tpu.memory_space<semaphore_mem>> -> memref<!tpu.dma_semaphore, #tpu.memory_space<semaphore_mem>>
    tpu.enqueue_indirect_dma source(%dma_start3A_169 : memref<49152x1024xf32, #tpu.memory_space<hbm>>) target(%dma_start3A_164 : memref<16x1024xf32, #tpu.memory_space<vmem>>) offsets(%dma_start3A_166 : memref<16xi32, #tpu.memory_space<vmem>>) semaphore(%dma_start3A_171 : memref<!tpu.dma_semaphore, #tpu.memory_space<semaphore_mem>>)
    %get3A_172 = arith.constant 112 : index
    %get3A_173 = tpu.vector_load %arg6[%get3A_172] {strides = array<i32>} : memref<128xi32, #tpu.memory_space<vmem>>, vector<16xi32>,
    %get3A_174 = vector.shape_cast %get3A_173 : vector<16xi32> to vector<16xi32>
    %add3A_175 = arith.addi %get3A_174, %mul3A_9 : vector<16xi32>
    %swap3A_176 = arith.constant 112 : index
    %swap3A_177 = tpu.vector_load %arg6[%swap3A_176] {strides = array<i32>} : memref<128xi32, #tpu.memory_space<vmem>>, vector<16xi32>,
    %swap3A_178 = vector.shape_cast %swap3A_177 : vector<16xi32> to vector<16xi32>
    %swap3A_179 = vector.shape_cast %add3A_175 : vector<16xi32> to vector<16xi32>
    tpu.vector_store %arg6[%swap3A_176], %swap3A_179 {strides = array<i32>} : memref<128xi32, #tpu.memory_space<vmem>>, vector<16xi32>,
    %dma_wait3A_180 = arith.constant 0 : i32
    %dma_wait3A_181 = arith.constant 0 : i32
    %dma_wait3A_182 = arith.constant 0 : i32
    %dma_wait3A_183 = arith.constant 0 : i32
    %dma_wait3A_184 = tpu.memref_slice %arg8[%dma_wait3A_180, %dma_wait3A_182, %dma_wait3A_183] : memref<7x16x1024xf32, #tpu.memory_space<vmem>> -> memref<1x16x1024xf32, #tpu.memory_space<vmem>>
    %dma_wait3A_185 = tpu.memref_squeeze %dma_wait3A_184 : memref<1x16x1024xf32, #tpu.memory_space<vmem>> -> memref<16x1024xf32, #tpu.memory_space<vmem>>
    %dma_wait3A_186 = arith.constant 0 : i32
    %dma_wait3A_187 = tpu.memref_slice %arg6[%dma_wait3A_186] : memref<128xi32, #tpu.memory_space<vmem>> -> memref<16xi32, #tpu.memory_space<vmem>>
    %dma_wait3A_188 = arith.constant 0 : i32
    %dma_wait3A_189 = arith.constant 0 : i32
    %dma_wait3A_190 = tpu.memref_slice %arg4[%dma_wait3A_188, %dma_wait3A_189] : memref<49152x1024xf32, #tpu.memory_space<hbm>> -> memref<49152x1024xf32, #tpu.memory_space<hbm>>
    %dma_wait3A_191 = tpu.memref_slice %arg11[%dma_wait3A_181] : memref<7x!tpu.dma_semaphore, #tpu.memory_space<semaphore_mem>> -> memref<1x!tpu.dma_semaphore, #tpu.memory_space<semaphore_mem>>
    %dma_wait3A_192 = tpu.memref_squeeze %dma_wait3A_191 : memref<1x!tpu.dma_semaphore, #tpu.memory_space<semaphore_mem>> -> memref<!tpu.dma_semaphore, #tpu.memory_space<semaphore_mem>>
    tpu.wait_indirect_dma semaphore(%dma_wait3A_192 : memref<!tpu.dma_semaphore, #tpu.memory_space<semaphore_mem>>) src(%dma_wait3A_190 : memref<49152x1024xf32, #tpu.memory_space<hbm>>) dst(%dma_wait3A_185 : memref<16x1024xf32, #tpu.memory_space<vmem>>)
    %dma_start3A_193 = arith.constant 0 : i32
    %dma_start3A_194 = arith.constant 0 : i32
    %dma_start3A_195 = arith.constant 0 : i32
    %dma_start3A_196 = arith.constant 0 : i32
    %dma_start3A_197 = tpu.memref_slice %arg8[%dma_start3A_193, %dma_start3A_195, %dma_start3A_196] : memref<7x16x1024xf32, #tpu.memory_space<vmem>> -> memref<1x16x1024xf32, #tpu.memory_space<vmem>>
    %dma_start3A_198 = tpu.memref_squeeze %dma_start3A_197 : memref<1x16x1024xf32, #tpu.memory_space<vmem>> -> memref<16x1024xf32, #tpu.memory_space<vmem>>
    %dma_start3A_199 = arith.constant 0 : i32
    %dma_start3A_200 = tpu.memref_slice %arg5[%add3A_11, %dma_start3A_199] : memref<4096x1024xf32, #tpu.memory_space<hbm>> -> memref<16x1024xf32, #tpu.memory_space<hbm>>
    %dma_start3A_201 = tpu.memref_slice %arg12[%dma_start3A_194] : memref<7x!tpu.dma_semaphore, #tpu.memory_space<semaphore_mem>> -> memref<1x!tpu.dma_semaphore, #tpu.memory_space<semaphore_mem>>
    %dma_start3A_202 = tpu.memref_squeeze %dma_start3A_201 : memref<1x!tpu.dma_semaphore, #tpu.memory_space<semaphore_mem>> -> memref<!tpu.dma_semaphore, #tpu.memory_space<semaphore_mem>>
    %dma_start3A_203 = arith.constant 0 : i32
    %dma_start3A_204 = tpu.memref_slice %arg5[%add3A_11, %dma_start3A_203] : memref<4096x1024xf32, #tpu.memory_space<hbm>> -> memref<16x1024xf32, #tpu.memory_space<hbm>>
    %dma_start3A_205 = arith.constant 0 : i32
    %dma_start3A_206 = arith.constant 0 : i32
    %dma_start3A_207 = tpu.memref_slice %arg8[%dma_start3A_193, %dma_start3A_205, %dma_start3A_206] : memref<7x16x1024xf32, #tpu.memory_space<vmem>> -> memref<1x16x1024xf32, #tpu.memory_space<vmem>>
    %dma_start3A_208 = tpu.memref_squeeze %dma_start3A_207 : memref<1x16x1024xf32, #tpu.memory_space<vmem>> -> memref<16x1024xf32, #tpu.memory_space<vmem>>
    tpu.enqueue_dma source(%dma_start3A_208 : memref<16x1024xf32, #tpu.memory_space<vmem>>) target(%dma_start3A_204 : memref<16x1024xf32, #tpu.memory_space<hbm>>) target_semaphore(%dma_start3A_202 : memref<!tpu.dma_semaphore, #tpu.memory_space<semaphore_mem>>)
    %dma_wait3A_209 = arith.constant 0 : i32
    %dma_wait3A_210 = arith.constant 0 : i32
    %dma_wait3A_211 = arith.constant 0 : i32
    %dma_wait3A_212 = arith.constant 0 : i32
    %dma_wait3A_213 = tpu.memref_slice %arg8[%dma_wait3A_209, %dma_wait3A_211, %dma_wait3A_212] : memref<7x16x1024xf32, #tpu.memory_space<vmem>> -> memref<1x16x1024xf32, #tpu.memory_space<vmem>>
    %dma_wait3A_214 = tpu.memref_squeeze %dma_wait3A_213 : memref<1x16x1024xf32, #tpu.memory_space<vmem>> -> memref<16x1024xf32, #tpu.memory_space<vmem>>
    %dma_wait3A_215 = arith.constant 0 : i32
    %dma_wait3A_216 = tpu.memref_slice %arg5[%add3A_11, %dma_wait3A_215] : memref<4096x1024xf32, #tpu.memory_space<hbm>> -> memref<16x1024xf32, #tpu.memory_space<hbm>>
    %dma_wait3A_217 = tpu.memref_slice %arg12[%dma_wait3A_210] : memref<7x!tpu.dma_semaphore, #tpu.memory_space<semaphore_mem>> -> memref<1x!tpu.dma_semaphore, #tpu.memory_space<semaphore_mem>>
    %dma_wait3A_218 = tpu.memref_squeeze %dma_wait3A_217 : memref<1x!tpu.dma_semaphore, #tpu.memory_space<semaphore_mem>> -> memref<!tpu.dma_semaphore, #tpu.memory_space<semaphore_mem>>
    %dma_wait3A_219 = arith.constant 0 : i32
    %dma_wait3A_220 = tpu.memref_slice %arg5[%add3A_11, %dma_wait3A_219] : memref<4096x1024xf32, #tpu.memory_space<hbm>> -> memref<16x1024xf32, #tpu.memory_space<hbm>>
    %dma_wait3A_221 = arith.constant 0 : i32
    %dma_wait3A_222 = arith.constant 0 : i32
    %dma_wait3A_223 = tpu.memref_slice %arg8[%dma_wait3A_209, %dma_wait3A_221, %dma_wait3A_222] : memref<7x16x1024xf32, #tpu.memory_space<vmem>> -> memref<1x16x1024xf32, #tpu.memory_space<vmem>>
    %dma_wait3A_224 = tpu.memref_squeeze %dma_wait3A_223 : memref<1x16x1024xf32, #tpu.memory_space<vmem>> -> memref<16x1024xf32, #tpu.memory_space<vmem>>
    tpu.wait_dma2 semaphore(%dma_wait3A_218 : memref<!tpu.dma_semaphore, #tpu.memory_space<semaphore_mem>>) src(%dma_wait3A_224 : memref<16x1024xf32, #tpu.memory_space<vmem>>) dst(%dma_wait3A_220 : memref<16x1024xf32, #tpu.memory_space<hbm>>)
    %dma_start3A_225 = arith.constant 0 : i32
    %dma_start3A_226 = arith.constant 0 : i32
    %dma_start3A_227 = arith.constant 0 : i32
    %dma_start3A_228 = arith.constant 0 : i32
    %dma_start3A_229 = tpu.memref_slice %arg8[%dma_start3A_225, %dma_start3A_227, %dma_start3A_228] : memref<7x16x1024xf32, #tpu.memory_space<vmem>> -> memref<1x16x1024xf32, #tpu.memory_space<vmem>>
    %dma_start3A_230 = tpu.memref_squeeze %dma_start3A_229 : memref<1x16x1024xf32, #tpu.memory_space<vmem>> -> memref<16x1024xf32, #tpu.memory_space<vmem>>
    %dma_start3A_231 = arith.constant 112 : i32
    %dma_start3A_232 = tpu.memref_slice %arg6[%dma_start3A_231] : memref<128xi32, #tpu.memory_space<vmem>> -> memref<16xi32, #tpu.memory_space<vmem>>
    %dma_start3A_233 = arith.constant 0 : i32
    %dma_start3A_234 = arith.constant 0 : i32
    %dma_start3A_235 = tpu.memref_slice %arg4[%dma_start3A_233, %dma_start3A_234] : memref<49152x1024xf32, #tpu.memory_space<hbm>> -> memref<49152x1024xf32, #tpu.memory_space<hbm>>
    %dma_start3A_236 = tpu.memref_slice %arg11[%dma_start3A_226] : memref<7x!tpu.dma_semaphore, #tpu.memory_space<semaphore_mem>> -> memref<1x!tpu.dma_semaphore, #tpu.memory_space<semaphore_mem>>
    %dma_start3A_237 = tpu.memref_squeeze %dma_start3A_236 : memref<1x!tpu.dma_semaphore, #tpu.memory_space<semaphore_mem>> -> memref<!tpu.dma_semaphore, #tpu.memory_space<semaphore_mem>>
    tpu.enqueue_indirect_dma source(%dma_start3A_235 : memref<49152x1024xf32, #tpu.memory_space<hbm>>) target(%dma_start3A_230 : memref<16x1024xf32, #tpu.memory_space<vmem>>) offsets(%dma_start3A_232 : memref<16xi32, #tpu.memory_space<vmem>>) semaphore(%dma_start3A_237 : memref<!tpu.dma_semaphore, #tpu.memory_space<semaphore_mem>>)
    %dma_wait3A_238 = arith.constant 1 : i32
    %dma_wait3A_239 = arith.constant 1 : i32
    %dma_wait3A_240 = arith.constant 0 : i32
    %dma_wait3A_241 = arith.constant 0 : i32
    %dma_wait3A_242 = tpu.memref_slice %arg8[%dma_wait3A_238, %dma_wait3A_240, %dma_wait3A_241] : memref<7x16x1024xf32, #tpu.memory_space<vmem>> -> memref<1x16x1024xf32, #tpu.memory_space<vmem>>
    %dma_wait3A_243 = tpu.memref_squeeze %dma_wait3A_242 : memref<1x16x1024xf32, #tpu.memory_space<vmem>> -> memref<16x1024xf32, #tpu.memory_space<vmem>>
    %dma_wait3A_244 = arith.constant 16 : i32
    %dma_wait3A_245 = tpu.memref_slice %arg6[%dma_wait3A_244] : memref<128xi32, #tpu.memory_space<vmem>> -> memref<16xi32, #tpu.memory_space<vmem>>
    %dma_wait3A_246 = arith.constant 0 : i32
    %dma_wait3A_247 = arith.constant 0 : i32
    %dma_wait3A_248 = tpu.memref_slice %arg4[%dma_wait3A_246, %dma_wait3A_247] : memref<49152x1024xf32, #tpu.memory_space<hbm>> -> memref<49152x1024xf32, #tpu.memory_space<hbm>>
    %dma_wait3A_249 = tpu.memref_slice %arg11[%dma_wait3A_239] : memref<7x!tpu.dma_semaphore, #tpu.memory_space<semaphore_mem>> -> memref<1x!tpu.dma_semaphore, #tpu.memory_space<semaphore_mem>>
    %dma_wait3A_250 = tpu.memref_squeeze %dma_wait3A_249 : memref<1x!tpu.dma_semaphore, #tpu.memory_space<semaphore_mem>> -> memref<!tpu.dma_semaphore, #tpu.memory_space<semaphore_mem>>
    tpu.wait_indirect_dma semaphore(%dma_wait3A_250 : memref<!tpu.dma_semaphore, #tpu.memory_space<semaphore_mem>>) src(%dma_wait3A_248 : memref<49152x1024xf32, #tpu.memory_space<hbm>>) dst(%dma_wait3A_243 : memref<16x1024xf32, #tpu.memory_space<vmem>>)
    %dma_start3A_251 = arith.constant 1 : i32
    %dma_start3A_252 = arith.constant 1 : i32
    %dma_start3A_253 = arith.constant 0 : i32
    %dma_start3A_254 = arith.constant 0 : i32
    %dma_start3A_255 = tpu.memref_slice %arg8[%dma_start3A_251, %dma_start3A_253, %dma_start3A_254] : memref<7x16x1024xf32, #tpu.memory_space<vmem>> -> memref<1x16x1024xf32, #tpu.memory_space<vmem>>
    %dma_start3A_256 = tpu.memref_squeeze %dma_start3A_255 : memref<1x16x1024xf32, #tpu.memory_space<vmem>> -> memref<16x1024xf32, #tpu.memory_space<vmem>>
    %dma_start3A_257 = arith.constant 0 : i32
    %dma_start3A_258 = tpu.memref_slice %arg5[%add3A_13, %dma_start3A_257] : memref<4096x1024xf32, #tpu.memory_space<hbm>> -> memref<16x1024xf32, #tpu.memory_space<hbm>>
    %dma_start3A_259 = tpu.memref_slice %arg12[%dma_start3A_252] : memref<7x!tpu.dma_semaphore, #tpu.memory_space<semaphore_mem>> -> memref<1x!tpu.dma_semaphore, #tpu.memory_space<semaphore_mem>>
    %dma_start3A_260 = tpu.memref_squeeze %dma_start3A_259 : memref<1x!tpu.dma_semaphore, #tpu.memory_space<semaphore_mem>> -> memref<!tpu.dma_semaphore, #tpu.memory_space<semaphore_mem>>
    %dma_start3A_261 = arith.constant 0 : i32
    %dma_start3A_262 = tpu.memref_slice %arg5[%add3A_13, %dma_start3A_261] : memref<4096x1024xf32, #tpu.memory_space<hbm>> -> memref<16x1024xf32, #tpu.memory_space<hbm>>
    %dma_start3A_263 = arith.constant 0 : i32
    %dma_start3A_264 = arith.constant 0 : i32
    %dma_start3A_265 = tpu.memref_slice %arg8[%dma_start3A_251, %dma_start3A_263, %dma_start3A_264] : memref<7x16x1024xf32, #tpu.memory_space<vmem>> -> memref<1x16x1024xf32, #tpu.memory_space<vmem>>
    %dma_start3A_266 = tpu.memref_squeeze %dma_start3A_265 : memref<1x16x1024xf32, #tpu.memory_space<vmem>> -> memref<16x1024xf32, #tpu.memory_space<vmem>>
    tpu.enqueue_dma source(%dma_start3A_266 : memref<16x1024xf32, #tpu.memory_space<vmem>>) target(%dma_start3A_262 : memref<16x1024xf32, #tpu.memory_space<hbm>>) target_semaphore(%dma_start3A_260 : memref<!tpu.dma_semaphore, #tpu.memory_space<semaphore_mem>>)
    %dma_wait3A_267 = arith.constant 2 : i32
    %dma_wait3A_268 = arith.constant 2 : i32
    %dma_wait3A_269 = arith.constant 0 : i32
    %dma_wait3A_270 = arith.constant 0 : i32
    %dma_wait3A_271 = tpu.memref_slice %arg8[%dma_wait3A_267, %dma_wait3A_269, %dma_wait3A_270] : memref<7x16x1024xf32, #tpu.memory_space<vmem>> -> memref<1x16x1024xf32, #tpu.memory_space<vmem>>
    %dma_wait3A_272 = tpu.memref_squeeze %dma_wait3A_271 : memref<1x16x1024xf32, #tpu.memory_space<vmem>> -> memref<16x1024xf32, #tpu.memory_space<vmem>>
    %dma_wait3A_273 = arith.constant 32 : i32
    %dma_wait3A_274 = tpu.memref_slice %arg6[%dma_wait3A_273] : memref<128xi32, #tpu.memory_space<vmem>> -> memref<16xi32, #tpu.memory_space<vmem>>
    %dma_wait3A_275 = arith.constant 0 : i32
    %dma_wait3A_276 = arith.constant 0 : i32
    %dma_wait3A_277 = tpu.memref_slice %arg4[%dma_wait3A_275, %dma_wait3A_276] : memref<49152x1024xf32, #tpu.memory_space<hbm>> -> memref<49152x1024xf32, #tpu.memory_space<hbm>>
    %dma_wait3A_278 = tpu.memref_slice %arg11[%dma_wait3A_268] : memref<7x!tpu.dma_semaphore, #tpu.memory_space<semaphore_mem>> -> memref<1x!tpu.dma_semaphore, #tpu.memory_space<semaphore_mem>>
    %dma_wait3A_279 = tpu.memref_squeeze %dma_wait3A_278 : memref<1x!tpu.dma_semaphore, #tpu.memory_space<semaphore_mem>> -> memref<!tpu.dma_semaphore, #tpu.memory_space<semaphore_mem>>
    tpu.wait_indirect_dma semaphore(%dma_wait3A_279 : memref<!tpu.dma_semaphore, #tpu.memory_space<semaphore_mem>>) src(%dma_wait3A_277 : memref<49152x1024xf32, #tpu.memory_space<hbm>>) dst(%dma_wait3A_272 : memref<16x1024xf32, #tpu.memory_space<vmem>>)
    %dma_start3A_280 = arith.constant 2 : i32
    %dma_start3A_281 = arith.constant 2 : i32
    %dma_start3A_282 = arith.constant 0 : i32
    %dma_start3A_283 = arith.constant 0 : i32
    %dma_start3A_284 = tpu.memref_slice %arg8[%dma_start3A_280, %dma_start3A_282, %dma_start3A_283] : memref<7x16x1024xf32, #tpu.memory_space<vmem>> -> memref<1x16x1024xf32, #tpu.memory_space<vmem>>
    %dma_start3A_285 = tpu.memref_squeeze %dma_start3A_284 : memref<1x16x1024xf32, #tpu.memory_space<vmem>> -> memref<16x1024xf32, #tpu.memory_space<vmem>>
    %dma_start3A_286 = arith.constant 0 : i32
    %dma_start3A_287 = tpu.memref_slice %arg5[%add3A_15, %dma_start3A_286] : memref<4096x1024xf32, #tpu.memory_space<hbm>> -> memref<16x1024xf32, #tpu.memory_space<hbm>>
    %dma_start3A_288 = tpu.memref_slice %arg12[%dma_start3A_281] : memref<7x!tpu.dma_semaphore, #tpu.memory_space<semaphore_mem>> -> memref<1x!tpu.dma_semaphore, #tpu.memory_space<semaphore_mem>>
    %dma_start3A_289 = tpu.memref_squeeze %dma_start3A_288 : memref<1x!tpu.dma_semaphore, #tpu.memory_space<semaphore_mem>> -> memref<!tpu.dma_semaphore, #tpu.memory_space<semaphore_mem>>
    %dma_start3A_290 = arith.constant 0 : i32
    %dma_start3A_291 = tpu.memref_slice %arg5[%add3A_15, %dma_start3A_290] : memref<4096x1024xf32, #tpu.memory_space<hbm>> -> memref<16x1024xf32, #tpu.memory_space<hbm>>
    %dma_start3A_292 = arith.constant 0 : i32
    %dma_start3A_293 = arith.constant 0 : i32
    %dma_start3A_294 = tpu.memref_slice %arg8[%dma_start3A_280, %dma_start3A_292, %dma_start3A_293] : memref<7x16x1024xf32, #tpu.memory_space<vmem>> -> memref<1x16x1024xf32, #tpu.memory_space<vmem>>
    %dma_start3A_295 = tpu.memref_squeeze %dma_start3A_294 : memref<1x16x1024xf32, #tpu.memory_space<vmem>> -> memref<16x1024xf32, #tpu.memory_space<vmem>>
    tpu.enqueue_dma source(%dma_start3A_295 : memref<16x1024xf32, #tpu.memory_space<vmem>>) target(%dma_start3A_291 : memref<16x1024xf32, #tpu.memory_space<hbm>>) target_semaphore(%dma_start3A_289 : memref<!tpu.dma_semaphore, #tpu.memory_space<semaphore_mem>>)
    %dma_wait3A_296 = arith.constant 3 : i32
    %dma_wait3A_297 = arith.constant 3 : i32
    %dma_wait3A_298 = arith.constant 0 : i32
    %dma_wait3A_299 = arith.constant 0 : i32
    %dma_wait3A_300 = tpu.memref_slice %arg8[%dma_wait3A_296, %dma_wait3A_298, %dma_wait3A_299] : memref<7x16x1024xf32, #tpu.memory_space<vmem>> -> memref<1x16x1024xf32, #tpu.memory_space<vmem>>
    %dma_wait3A_301 = tpu.memref_squeeze %dma_wait3A_300 : memref<1x16x1024xf32, #tpu.memory_space<vmem>> -> memref<16x1024xf32, #tpu.memory_space<vmem>>
    %dma_wait3A_302 = arith.constant 48 : i32
    %dma_wait3A_303 = tpu.memref_slice %arg6[%dma_wait3A_302] : memref<128xi32, #tpu.memory_space<vmem>> -> memref<16xi32, #tpu.memory_space<vmem>>
    %dma_wait3A_304 = arith.constant 0 : i32
    %dma_wait3A_305 = arith.constant 0 : i32
    %dma_wait3A_306 = tpu.memref_slice %arg4[%dma_wait3A_304, %dma_wait3A_305] : memref<49152x1024xf32, #tpu.memory_space<hbm>> -> memref<49152x1024xf32, #tpu.memory_space<hbm>>
    %dma_wait3A_307 = tpu.memref_slice %arg11[%dma_wait3A_297] : memref<7x!tpu.dma_semaphore, #tpu.memory_space<semaphore_mem>> -> memref<1x!tpu.dma_semaphore, #tpu.memory_space<semaphore_mem>>
    %dma_wait3A_308 = tpu.memref_squeeze %dma_wait3A_307 : memref<1x!tpu.dma_semaphore, #tpu.memory_space<semaphore_mem>> -> memref<!tpu.dma_semaphore, #tpu.memory_space<semaphore_mem>>
    tpu.wait_indirect_dma semaphore(%dma_wait3A_308 : memref<!tpu.dma_semaphore, #tpu.memory_space<semaphore_mem>>) src(%dma_wait3A_306 : memref<49152x1024xf32, #tpu.memory_space<hbm>>) dst(%dma_wait3A_301 : memref<16x1024xf32, #tpu.memory_space<vmem>>)
    %dma_start3A_309 = arith.constant 3 : i32
    %dma_start3A_310 = arith.constant 3 : i32
    %dma_start3A_311 = arith.constant 0 : i32
    %dma_start3A_312 = arith.constant 0 : i32
    %dma_start3A_313 = tpu.memref_slice %arg8[%dma_start3A_309, %dma_start3A_311, %dma_start3A_312] : memref<7x16x1024xf32, #tpu.memory_space<vmem>> -> memref<1x16x1024xf32, #tpu.memory_space<vmem>>
    %dma_start3A_314 = tpu.memref_squeeze %dma_start3A_313 : memref<1x16x1024xf32, #tpu.memory_space<vmem>> -> memref<16x1024xf32, #tpu.memory_space<vmem>>
    %dma_start3A_315 = arith.constant 0 : i32
    %dma_start3A_316 = tpu.memref_slice %arg5[%add3A_17, %dma_start3A_315] : memref<4096x1024xf32, #tpu.memory_space<hbm>> -> memref<16x1024xf32, #tpu.memory_space<hbm>>
    %dma_start3A_317 = tpu.memref_slice %arg12[%dma_start3A_310] : memref<7x!tpu.dma_semaphore, #tpu.memory_space<semaphore_mem>> -> memref<1x!tpu.dma_semaphore, #tpu.memory_space<semaphore_mem>>
    %dma_start3A_318 = tpu.memref_squeeze %dma_start3A_317 : memref<1x!tpu.dma_semaphore, #tpu.memory_space<semaphore_mem>> -> memref<!tpu.dma_semaphore, #tpu.memory_space<semaphore_mem>>
    %dma_start3A_319 = arith.constant 0 : i32
    %dma_start3A_320 = tpu.memref_slice %arg5[%add3A_17, %dma_start3A_319] : memref<4096x1024xf32, #tpu.memory_space<hbm>> -> memref<16x1024xf32, #tpu.memory_space<hbm>>
    %dma_start3A_321 = arith.constant 0 : i32
    %dma_start3A_322 = arith.constant 0 : i32
    %dma_start3A_323 = tpu.memref_slice %arg8[%dma_start3A_309, %dma_start3A_321, %dma_start3A_322] : memref<7x16x1024xf32, #tpu.memory_space<vmem>> -> memref<1x16x1024xf32, #tpu.memory_space<vmem>>
    %dma_start3A_324 = tpu.memref_squeeze %dma_start3A_323 : memref<1x16x1024xf32, #tpu.memory_space<vmem>> -> memref<16x1024xf32, #tpu.memory_space<vmem>>
    tpu.enqueue_dma source(%dma_start3A_324 : memref<16x1024xf32, #tpu.memory_space<vmem>>) target(%dma_start3A_320 : memref<16x1024xf32, #tpu.memory_space<hbm>>) target_semaphore(%dma_start3A_318 : memref<!tpu.dma_semaphore, #tpu.memory_space<semaphore_mem>>)
    %dma_wait3A_325 = arith.constant 4 : i32
    %dma_wait3A_326 = arith.constant 4 : i32
    %dma_wait3A_327 = arith.constant 0 : i32
    %dma_wait3A_328 = arith.constant 0 : i32
    %dma_wait3A_329 = tpu.memref_slice %arg8[%dma_wait3A_325, %dma_wait3A_327, %dma_wait3A_328] : memref<7x16x1024xf32, #tpu.memory_space<vmem>> -> memref<1x16x1024xf32, #tpu.memory_space<vmem>>
    %dma_wait3A_330 = tpu.memref_squeeze %dma_wait3A_329 : memref<1x16x1024xf32, #tpu.memory_space<vmem>> -> memref<16x1024xf32, #tpu.memory_space<vmem>>
    %dma_wait3A_331 = arith.constant 64 : i32
    %dma_wait3A_332 = tpu.memref_slice %arg6[%dma_wait3A_331] : memref<128xi32, #tpu.memory_space<vmem>> -> memref<16xi32, #tpu.memory_space<vmem>>
    %dma_wait3A_333 = arith.constant 0 : i32
    %dma_wait3A_334 = arith.constant 0 : i32
    %dma_wait3A_335 = tpu.memref_slice %arg4[%dma_wait3A_333, %dma_wait3A_334] : memref<49152x1024xf32, #tpu.memory_space<hbm>> -> memref<49152x1024xf32, #tpu.memory_space<hbm>>
    %dma_wait3A_336 = tpu.memref_slice %arg11[%dma_wait3A_326] : memref<7x!tpu.dma_semaphore, #tpu.memory_space<semaphore_mem>> -> memref<1x!tpu.dma_semaphore, #tpu.memory_space<semaphore_mem>>
    %dma_wait3A_337 = tpu.memref_squeeze %dma_wait3A_336 : memref<1x!tpu.dma_semaphore, #tpu.memory_space<semaphore_mem>> -> memref<!tpu.dma_semaphore, #tpu.memory_space<semaphore_mem>>
    tpu.wait_indirect_dma semaphore(%dma_wait3A_337 : memref<!tpu.dma_semaphore, #tpu.memory_space<semaphore_mem>>) src(%dma_wait3A_335 : memref<49152x1024xf32, #tpu.memory_space<hbm>>) dst(%dma_wait3A_330 : memref<16x1024xf32, #tpu.memory_space<vmem>>)
    %dma_start3A_338 = arith.constant 4 : i32
    %dma_start3A_339 = arith.constant 4 : i32
    %dma_start3A_340 = arith.constant 0 : i32
    %dma_start3A_341 = arith.constant 0 : i32
    %dma_start3A_342 = tpu.memref_slice %arg8[%dma_start3A_338, %dma_start3A_340, %dma_start3A_341] : memref<7x16x1024xf32, #tpu.memory_space<vmem>> -> memref<1x16x1024xf32, #tpu.memory_space<vmem>>
    %dma_start3A_343 = tpu.memref_squeeze %dma_start3A_342 : memref<1x16x1024xf32, #tpu.memory_space<vmem>> -> memref<16x1024xf32, #tpu.memory_space<vmem>>
    %dma_start3A_344 = arith.constant 0 : i32
    %dma_start3A_345 = tpu.memref_slice %arg5[%add3A_19, %dma_start3A_344] : memref<4096x1024xf32, #tpu.memory_space<hbm>> -> memref<16x1024xf32, #tpu.memory_space<hbm>>
    %dma_start3A_346 = tpu.memref_slice %arg12[%dma_start3A_339] : memref<7x!tpu.dma_semaphore, #tpu.memory_space<semaphore_mem>> -> memref<1x!tpu.dma_semaphore, #tpu.memory_space<semaphore_mem>>
    %dma_start3A_347 = tpu.memref_squeeze %dma_start3A_346 : memref<1x!tpu.dma_semaphore, #tpu.memory_space<semaphore_mem>> -> memref<!tpu.dma_semaphore, #tpu.memory_space<semaphore_mem>>
    %dma_start3A_348 = arith.constant 0 : i32
    %dma_start3A_349 = tpu.memref_slice %arg5[%add3A_19, %dma_start3A_348] : memref<4096x1024xf32, #tpu.memory_space<hbm>> -> memref<16x1024xf32, #tpu.memory_space<hbm>>
    %dma_start3A_350 = arith.constant 0 : i32
    %dma_start3A_351 = arith.constant 0 : i32
    %dma_start3A_352 = tpu.memref_slice %arg8[%dma_start3A_338, %dma_start3A_350, %dma_start3A_351] : memref<7x16x1024xf32, #tpu.memory_space<vmem>> -> memref<1x16x1024xf32, #tpu.memory_space<vmem>>
    %dma_start3A_353 = tpu.memref_squeeze %dma_start3A_352 : memref<1x16x1024xf32, #tpu.memory_space<vmem>> -> memref<16x1024xf32, #tpu.memory_space<vmem>>
    tpu.enqueue_dma source(%dma_start3A_353 : memref<16x1024xf32, #tpu.memory_space<vmem>>) target(%dma_start3A_349 : memref<16x1024xf32, #tpu.memory_space<hbm>>) target_semaphore(%dma_start3A_347 : memref<!tpu.dma_semaphore, #tpu.memory_space<semaphore_mem>>)
    %dma_wait3A_354 = arith.constant 5 : i32
    %dma_wait3A_355 = arith.constant 5 : i32
    %dma_wait3A_356 = arith.constant 0 : i32
    %dma_wait3A_357 = arith.constant 0 : i32
    %dma_wait3A_358 = tpu.memref_slice %arg8[%dma_wait3A_354, %dma_wait3A_356, %dma_wait3A_357] : memref<7x16x1024xf32, #tpu.memory_space<vmem>> -> memref<1x16x1024xf32, #tpu.memory_space<vmem>>
    %dma_wait3A_359 = tpu.memref_squeeze %dma_wait3A_358 : memref<1x16x1024xf32, #tpu.memory_space<vmem>> -> memref<16x1024xf32, #tpu.memory_space<vmem>>
    %dma_wait3A_360 = arith.constant 80 : i32
    %dma_wait3A_361 = tpu.memref_slice %arg6[%dma_wait3A_360] : memref<128xi32, #tpu.memory_space<vmem>> -> memref<16xi32, #tpu.memory_space<vmem>>
    %dma_wait3A_362 = arith.constant 0 : i32
    %dma_wait3A_363 = arith.constant 0 : i32
    %dma_wait3A_364 = tpu.memref_slice %arg4[%dma_wait3A_362, %dma_wait3A_363] : memref<49152x1024xf32, #tpu.memory_space<hbm>> -> memref<49152x1024xf32, #tpu.memory_space<hbm>>
    %dma_wait3A_365 = tpu.memref_slice %arg11[%dma_wait3A_355] : memref<7x!tpu.dma_semaphore, #tpu.memory_space<semaphore_mem>> -> memref<1x!tpu.dma_semaphore, #tpu.memory_space<semaphore_mem>>
    %dma_wait3A_366 = tpu.memref_squeeze %dma_wait3A_365 : memref<1x!tpu.dma_semaphore, #tpu.memory_space<semaphore_mem>> -> memref<!tpu.dma_semaphore, #tpu.memory_space<semaphore_mem>>
    tpu.wait_indirect_dma semaphore(%dma_wait3A_366 : memref<!tpu.dma_semaphore, #tpu.memory_space<semaphore_mem>>) src(%dma_wait3A_364 : memref<49152x1024xf32, #tpu.memory_space<hbm>>) dst(%dma_wait3A_359 : memref<16x1024xf32, #tpu.memory_space<vmem>>)
    %dma_start3A_367 = arith.constant 5 : i32
    %dma_start3A_368 = arith.constant 5 : i32
    %dma_start3A_369 = arith.constant 0 : i32
    %dma_start3A_370 = arith.constant 0 : i32
    %dma_start3A_371 = tpu.memref_slice %arg8[%dma_start3A_367, %dma_start3A_369, %dma_start3A_370] : memref<7x16x1024xf32, #tpu.memory_space<vmem>> -> memref<1x16x1024xf32, #tpu.memory_space<vmem>>
    %dma_start3A_372 = tpu.memref_squeeze %dma_start3A_371 : memref<1x16x1024xf32, #tpu.memory_space<vmem>> -> memref<16x1024xf32, #tpu.memory_space<vmem>>
    %dma_start3A_373 = arith.constant 0 : i32
    %dma_start3A_374 = tpu.memref_slice %arg5[%add3A_21, %dma_start3A_373] : memref<4096x1024xf32, #tpu.memory_space<hbm>> -> memref<16x1024xf32, #tpu.memory_space<hbm>>
    %dma_start3A_375 = tpu.memref_slice %arg12[%dma_start3A_368] : memref<7x!tpu.dma_semaphore, #tpu.memory_space<semaphore_mem>> -> memref<1x!tpu.dma_semaphore, #tpu.memory_space<semaphore_mem>>
    %dma_start3A_376 = tpu.memref_squeeze %dma_start3A_375 : memref<1x!tpu.dma_semaphore, #tpu.memory_space<semaphore_mem>> -> memref<!tpu.dma_semaphore, #tpu.memory_space<semaphore_mem>>
    %dma_start3A_377 = arith.constant 0 : i32
    %dma_start3A_378 = tpu.memref_slice %arg5[%add3A_21, %dma_start3A_377] : memref<4096x1024xf32, #tpu.memory_space<hbm>> -> memref<16x1024xf32, #tpu.memory_space<hbm>>
    %dma_start3A_379 = arith.constant 0 : i32
    %dma_start3A_380 = arith.constant 0 : i32
    %dma_start3A_381 = tpu.memref_slice %arg8[%dma_start3A_367, %dma_start3A_379, %dma_start3A_380] : memref<7x16x1024xf32, #tpu.memory_space<vmem>> -> memref<1x16x1024xf32, #tpu.memory_space<vmem>>
    %dma_start3A_382 = tpu.memref_squeeze %dma_start3A_381 : memref<1x16x1024xf32, #tpu.memory_space<vmem>> -> memref<16x1024xf32, #tpu.memory_space<vmem>>
    tpu.enqueue_dma source(%dma_start3A_382 : memref<16x1024xf32, #tpu.memory_space<vmem>>) target(%dma_start3A_378 : memref<16x1024xf32, #tpu.memory_space<hbm>>) target_semaphore(%dma_start3A_376 : memref<!tpu.dma_semaphore, #tpu.memory_space<semaphore_mem>>)
    %dma_wait3A_383 = arith.constant 6 : i32
    %dma_wait3A_384 = arith.constant 6 : i32
    %dma_wait3A_385 = arith.constant 0 : i32
    %dma_wait3A_386 = arith.constant 0 : i32
    %dma_wait3A_387 = tpu.memref_slice %arg8[%dma_wait3A_383, %dma_wait3A_385, %dma_wait3A_386] : memref<7x16x1024xf32, #tpu.memory_space<vmem>> -> memref<1x16x1024xf32, #tpu.memory_space<vmem>>
    %dma_wait3A_388 = tpu.memref_squeeze %dma_wait3A_387 : memref<1x16x1024xf32, #tpu.memory_space<vmem>> -> memref<16x1024xf32, #tpu.memory_space<vmem>>
    %dma_wait3A_389 = arith.constant 96 : i32
    %dma_wait3A_390 = tpu.memref_slice %arg6[%dma_wait3A_389] : memref<128xi32, #tpu.memory_space<vmem>> -> memref<16xi32, #tpu.memory_space<vmem>>
    %dma_wait3A_391 = arith.constant 0 : i32
    %dma_wait3A_392 = arith.constant 0 : i32
    %dma_wait3A_393 = tpu.memref_slice %arg4[%dma_wait3A_391, %dma_wait3A_392] : memref<49152x1024xf32, #tpu.memory_space<hbm>> -> memref<49152x1024xf32, #tpu.memory_space<hbm>>
    %dma_wait3A_394 = tpu.memref_slice %arg11[%dma_wait3A_384] : memref<7x!tpu.dma_semaphore, #tpu.memory_space<semaphore_mem>> -> memref<1x!tpu.dma_semaphore, #tpu.memory_space<semaphore_mem>>
    %dma_wait3A_395 = tpu.memref_squeeze %dma_wait3A_394 : memref<1x!tpu.dma_semaphore, #tpu.memory_space<semaphore_mem>> -> memref<!tpu.dma_semaphore, #tpu.memory_space<semaphore_mem>>
    tpu.wait_indirect_dma semaphore(%dma_wait3A_395 : memref<!tpu.dma_semaphore, #tpu.memory_space<semaphore_mem>>) src(%dma_wait3A_393 : memref<49152x1024xf32, #tpu.memory_space<hbm>>) dst(%dma_wait3A_388 : memref<16x1024xf32, #tpu.memory_space<vmem>>)
    %dma_start3A_396 = arith.constant 6 : i32
    %dma_start3A_397 = arith.constant 6 : i32
    %dma_start3A_398 = arith.constant 0 : i32
    %dma_start3A_399 = arith.constant 0 : i32
    %dma_start3A_400 = tpu.memref_slice %arg8[%dma_start3A_396, %dma_start3A_398, %dma_start3A_399] : memref<7x16x1024xf32, #tpu.memory_space<vmem>> -> memref<1x16x1024xf32, #tpu.memory_space<vmem>>
    %dma_start3A_401 = tpu.memref_squeeze %dma_start3A_400 : memref<1x16x1024xf32, #tpu.memory_space<vmem>> -> memref<16x1024xf32, #tpu.memory_space<vmem>>
    %dma_start3A_402 = arith.constant 0 : i32
    %dma_start3A_403 = tpu.memref_slice %arg5[%add3A_23, %dma_start3A_402] : memref<4096x1024xf32, #tpu.memory_space<hbm>> -> memref<16x1024xf32, #tpu.memory_space<hbm>>
    %dma_start3A_404 = tpu.memref_slice %arg12[%dma_start3A_397] : memref<7x!tpu.dma_semaphore, #tpu.memory_space<semaphore_mem>> -> memref<1x!tpu.dma_semaphore, #tpu.memory_space<semaphore_mem>>
    %dma_start3A_405 = tpu.memref_squeeze %dma_start3A_404 : memref<1x!tpu.dma_semaphore, #tpu.memory_space<semaphore_mem>> -> memref<!tpu.dma_semaphore, #tpu.memory_space<semaphore_mem>>
    %dma_start3A_406 = arith.constant 0 : i32
    %dma_start3A_407 = tpu.memref_slice %arg5[%add3A_23, %dma_start3A_406] : memref<4096x1024xf32, #tpu.memory_space<hbm>> -> memref<16x1024xf32, #tpu.memory_space<hbm>>
    %dma_start3A_408 = arith.constant 0 : i32
    %dma_start3A_409 = arith.constant 0 : i32
    %dma_start3A_410 = tpu.memref_slice %arg8[%dma_start3A_396, %dma_start3A_408, %dma_start3A_409] : memref<7x16x1024xf32, #tpu.memory_space<vmem>> -> memref<1x16x1024xf32, #tpu.memory_space<vmem>>
    %dma_start3A_411 = tpu.memref_squeeze %dma_start3A_410 : memref<1x16x1024xf32, #tpu.memory_space<vmem>> -> memref<16x1024xf32, #tpu.memory_space<vmem>>
    tpu.enqueue_dma source(%dma_start3A_411 : memref<16x1024xf32, #tpu.memory_space<vmem>>) target(%dma_start3A_407 : memref<16x1024xf32, #tpu.memory_space<hbm>>) target_semaphore(%dma_start3A_405 : memref<!tpu.dma_semaphore, #tpu.memory_space<semaphore_mem>>)
    %dma_wait3A_412 = arith.constant 0 : i32
    %dma_wait3A_413 = arith.constant 0 : i32
    %dma_wait3A_414 = arith.constant 0 : i32
    %dma_wait3A_415 = arith.constant 0 : i32
    %dma_wait3A_416 = tpu.memref_slice %arg8[%dma_wait3A_412, %dma_wait3A_414, %dma_wait3A_415] : memref<7x16x1024xf32, #tpu.memory_space<vmem>> -> memref<1x16x1024xf32, #tpu.memory_space<vmem>>
    %dma_wait3A_417 = tpu.memref_squeeze %dma_wait3A_416 : memref<1x16x1024xf32, #tpu.memory_space<vmem>> -> memref<16x1024xf32, #tpu.memory_space<vmem>>
    %dma_wait3A_418 = arith.constant 112 : i32
    %dma_wait3A_419 = tpu.memref_slice %arg6[%dma_wait3A_418] : memref<128xi32, #tpu.memory_space<vmem>> -> memref<16xi32, #tpu.memory_space<vmem>>
    %dma_wait3A_420 = arith.constant 0 : i32
    %dma_wait3A_421 = arith.constant 0 : i32
    %dma_wait3A_422 = tpu.memref_slice %arg4[%dma_wait3A_420, %dma_wait3A_421] : memref<49152x1024xf32, #tpu.memory_space<hbm>> -> memref<49152x1024xf32, #tpu.memory_space<hbm>>
    %dma_wait3A_423 = tpu.memref_slice %arg11[%dma_wait3A_413] : memref<7x!tpu.dma_semaphore, #tpu.memory_space<semaphore_mem>> -> memref<1x!tpu.dma_semaphore, #tpu.memory_space<semaphore_mem>>
    %dma_wait3A_424 = tpu.memref_squeeze %dma_wait3A_423 : memref<1x!tpu.dma_semaphore, #tpu.memory_space<semaphore_mem>> -> memref<!tpu.dma_semaphore, #tpu.memory_space<semaphore_mem>>
    tpu.wait_indirect_dma semaphore(%dma_wait3A_424 : memref<!tpu.dma_semaphore, #tpu.memory_space<semaphore_mem>>) src(%dma_wait3A_422 : memref<49152x1024xf32, #tpu.memory_space<hbm>>) dst(%dma_wait3A_417 : memref<16x1024xf32, #tpu.memory_space<vmem>>)
    %dma_start3A_425 = arith.constant 0 : i32
    %dma_start3A_426 = arith.constant 0 : i32
    %dma_start3A_427 = arith.constant 0 : i32
    %dma_start3A_428 = arith.constant 0 : i32
    %dma_start3A_429 = tpu.memref_slice %arg8[%dma_start3A_425, %dma_start3A_427, %dma_start3A_428] : memref<7x16x1024xf32, #tpu.memory_space<vmem>> -> memref<1x16x1024xf32, #tpu.memory_space<vmem>>
    %dma_start3A_430 = tpu.memref_squeeze %dma_start3A_429 : memref<1x16x1024xf32, #tpu.memory_space<vmem>> -> memref<16x1024xf32, #tpu.memory_space<vmem>>
    %dma_start3A_431 = arith.constant 0 : i32
    %dma_start3A_432 = tpu.memref_slice %arg5[%add3A_25, %dma_start3A_431] : memref<4096x1024xf32, #tpu.memory_space<hbm>> -> memref<16x1024xf32, #tpu.memory_space<hbm>>
    %dma_start3A_433 = tpu.memref_slice %arg12[%dma_start3A_426] : memref<7x!tpu.dma_semaphore, #tpu.memory_space<semaphore_mem>> -> memref<1x!tpu.dma_semaphore, #tpu.memory_space<semaphore_mem>>
    %dma_start3A_434 = tpu.memref_squeeze %dma_start3A_433 : memref<1x!tpu.dma_semaphore, #tpu.memory_space<semaphore_mem>> -> memref<!tpu.dma_semaphore, #tpu.memory_space<semaphore_mem>>
    %dma_start3A_435 = arith.constant 0 : i32
    %dma_start3A_436 = tpu.memref_slice %arg5[%add3A_25, %dma_start3A_435] : memref<4096x1024xf32, #tpu.memory_space<hbm>> -> memref<16x1024xf32, #tpu.memory_space<hbm>>
    %dma_start3A_437 = arith.constant 0 : i32
    %dma_start3A_438 = arith.constant 0 : i32
    %dma_start3A_439 = tpu.memref_slice %arg8[%dma_start3A_425, %dma_start3A_437, %dma_start3A_438] : memref<7x16x1024xf32, #tpu.memory_space<vmem>> -> memref<1x16x1024xf32, #tpu.memory_space<vmem>>
    %dma_start3A_440 = tpu.memref_squeeze %dma_start3A_439 : memref<1x16x1024xf32, #tpu.memory_space<vmem>> -> memref<16x1024xf32, #tpu.memory_space<vmem>>
    tpu.enqueue_dma source(%dma_start3A_440 : memref<16x1024xf32, #tpu.memory_space<vmem>>) target(%dma_start3A_436 : memref<16x1024xf32, #tpu.memory_space<hbm>>) target_semaphore(%dma_start3A_434 : memref<!tpu.dma_semaphore, #tpu.memory_space<semaphore_mem>>)
    %dma_wait3A_441 = arith.constant 1 : i32
    %dma_wait3A_442 = arith.constant 1 : i32
    %dma_wait3A_443 = arith.constant 0 : i32
    %dma_wait3A_444 = arith.constant 0 : i32
    %dma_wait3A_445 = tpu.memref_slice %arg8[%dma_wait3A_441, %dma_wait3A_443, %dma_wait3A_444] : memref<7x16x1024xf32, #tpu.memory_space<vmem>> -> memref<1x16x1024xf32, #tpu.memory_space<vmem>>
    %dma_wait3A_446 = tpu.memref_squeeze %dma_wait3A_445 : memref<1x16x1024xf32, #tpu.memory_space<vmem>> -> memref<16x1024xf32, #tpu.memory_space<vmem>>
    %dma_wait3A_447 = arith.constant 0 : i32
    %dma_wait3A_448 = tpu.memref_slice %arg5[%add3A_13, %dma_wait3A_447] : memref<4096x1024xf32, #tpu.memory_space<hbm>> -> memref<16x1024xf32, #tpu.memory_space<hbm>>
    %dma_wait3A_449 = tpu.memref_slice %arg12[%dma_wait3A_442] : memref<7x!tpu.dma_semaphore, #tpu.memory_space<semaphore_mem>> -> memref<1x!tpu.dma_semaphore, #tpu.memory_space<semaphore_mem>>
    %dma_wait3A_450 = tpu.memref_squeeze %dma_wait3A_449 : memref<1x!tpu.dma_semaphore, #tpu.memory_space<semaphore_mem>> -> memref<!tpu.dma_semaphore, #tpu.memory_space<semaphore_mem>>
    %dma_wait3A_451 = arith.constant 0 : i32
    %dma_wait3A_452 = tpu.memref_slice %arg5[%add3A_13, %dma_wait3A_451] : memref<4096x1024xf32, #tpu.memory_space<hbm>> -> memref<16x1024xf32, #tpu.memory_space<hbm>>
    %dma_wait3A_453 = arith.constant 0 : i32
    %dma_wait3A_454 = arith.constant 0 : i32
    %dma_wait3A_455 = tpu.memref_slice %arg8[%dma_wait3A_441, %dma_wait3A_453, %dma_wait3A_454] : memref<7x16x1024xf32, #tpu.memory_space<vmem>> -> memref<1x16x1024xf32, #tpu.memory_space<vmem>>
    %dma_wait3A_456 = tpu.memref_squeeze %dma_wait3A_455 : memref<1x16x1024xf32, #tpu.memory_space<vmem>> -> memref<16x1024xf32, #tpu.memory_space<vmem>>
    tpu.wait_dma2 semaphore(%dma_wait3A_450 : memref<!tpu.dma_semaphore, #tpu.memory_space<semaphore_mem>>) src(%dma_wait3A_456 : memref<16x1024xf32, #tpu.memory_space<vmem>>) dst(%dma_wait3A_452 : memref<16x1024xf32, #tpu.memory_space<hbm>>)
    %dma_wait3A_457 = arith.constant 2 : i32
    %dma_wait3A_458 = arith.constant 2 : i32
    %dma_wait3A_459 = arith.constant 0 : i32
    %dma_wait3A_460 = arith.constant 0 : i32
    %dma_wait3A_461 = tpu.memref_slice %arg8[%dma_wait3A_457, %dma_wait3A_459, %dma_wait3A_460] : memref<7x16x1024xf32, #tpu.memory_space<vmem>> -> memref<1x16x1024xf32, #tpu.memory_space<vmem>>
    %dma_wait3A_462 = tpu.memref_squeeze %dma_wait3A_461 : memref<1x16x1024xf32, #tpu.memory_space<vmem>> -> memref<16x1024xf32, #tpu.memory_space<vmem>>
    %dma_wait3A_463 = arith.constant 0 : i32
    %dma_wait3A_464 = tpu.memref_slice %arg5[%add3A_15, %dma_wait3A_463] : memref<4096x1024xf32, #tpu.memory_space<hbm>> -> memref<16x1024xf32, #tpu.memory_space<hbm>>
    %dma_wait3A_465 = tpu.memref_slice %arg12[%dma_wait3A_458] : memref<7x!tpu.dma_semaphore, #tpu.memory_space<semaphore_mem>> -> memref<1x!tpu.dma_semaphore, #tpu.memory_space<semaphore_mem>>
    %dma_wait3A_466 = tpu.memref_squeeze %dma_wait3A_465 : memref<1x!tpu.dma_semaphore, #tpu.memory_space<semaphore_mem>> -> memref<!tpu.dma_semaphore, #tpu.memory_space<semaphore_mem>>
    %dma_wait3A_467 = arith.constant 0 : i32
    %dma_wait3A_468 = tpu.memref_slice %arg5[%add3A_15, %dma_wait3A_467] : memref<4096x1024xf32, #tpu.memory_space<hbm>> -> memref<16x1024xf32, #tpu.memory_space<hbm>>
    %dma_wait3A_469 = arith.constant 0 : i32
    %dma_wait3A_470 = arith.constant 0 : i32
    %dma_wait3A_471 = tpu.memref_slice %arg8[%dma_wait3A_457, %dma_wait3A_469, %dma_wait3A_470] : memref<7x16x1024xf32, #tpu.memory_space<vmem>> -> memref<1x16x1024xf32, #tpu.memory_space<vmem>>
    %dma_wait3A_472 = tpu.memref_squeeze %dma_wait3A_471 : memref<1x16x1024xf32, #tpu.memory_space<vmem>> -> memref<16x1024xf32, #tpu.memory_space<vmem>>
    tpu.wait_dma2 semaphore(%dma_wait3A_466 : memref<!tpu.dma_semaphore, #tpu.memory_space<semaphore_mem>>) src(%dma_wait3A_472 : memref<16x1024xf32, #tpu.memory_space<vmem>>) dst(%dma_wait3A_468 : memref<16x1024xf32, #tpu.memory_space<hbm>>)
    %dma_wait3A_473 = arith.constant 3 : i32
    %dma_wait3A_474 = arith.constant 3 : i32
    %dma_wait3A_475 = arith.constant 0 : i32
    %dma_wait3A_476 = arith.constant 0 : i32
    %dma_wait3A_477 = tpu.memref_slice %arg8[%dma_wait3A_473, %dma_wait3A_475, %dma_wait3A_476] : memref<7x16x1024xf32, #tpu.memory_space<vmem>> -> memref<1x16x1024xf32, #tpu.memory_space<vmem>>
    %dma_wait3A_478 = tpu.memref_squeeze %dma_wait3A_477 : memref<1x16x1024xf32, #tpu.memory_space<vmem>> -> memref<16x1024xf32, #tpu.memory_space<vmem>>
    %dma_wait3A_479 = arith.constant 0 : i32
    %dma_wait3A_480 = tpu.memref_slice %arg5[%add3A_17, %dma_wait3A_479] : memref<4096x1024xf32, #tpu.memory_space<hbm>> -> memref<16x1024xf32, #tpu.memory_space<hbm>>
    %dma_wait3A_481 = tpu.memref_slice %arg12[%dma_wait3A_474] : memref<7x!tpu.dma_semaphore, #tpu.memory_space<semaphore_mem>> -> memref<1x!tpu.dma_semaphore, #tpu.memory_space<semaphore_mem>>
    %dma_wait3A_482 = tpu.memref_squeeze %dma_wait3A_481 : memref<1x!tpu.dma_semaphore, #tpu.memory_space<semaphore_mem>> -> memref<!tpu.dma_semaphore, #tpu.memory_space<semaphore_mem>>
    %dma_wait3A_483 = arith.constant 0 : i32
    %dma_wait3A_484 = tpu.memref_slice %arg5[%add3A_17, %dma_wait3A_483] : memref<4096x1024xf32, #tpu.memory_space<hbm>> -> memref<16x1024xf32, #tpu.memory_space<hbm>>
    %dma_wait3A_485 = arith.constant 0 : i32
    %dma_wait3A_486 = arith.constant 0 : i32
    %dma_wait3A_487 = tpu.memref_slice %arg8[%dma_wait3A_473, %dma_wait3A_485, %dma_wait3A_486] : memref<7x16x1024xf32, #tpu.memory_space<vmem>> -> memref<1x16x1024xf32, #tpu.memory_space<vmem>>
    %dma_wait3A_488 = tpu.memref_squeeze %dma_wait3A_487 : memref<1x16x1024xf32, #tpu.memory_space<vmem>> -> memref<16x1024xf32, #tpu.memory_space<vmem>>
    tpu.wait_dma2 semaphore(%dma_wait3A_482 : memref<!tpu.dma_semaphore, #tpu.memory_space<semaphore_mem>>) src(%dma_wait3A_488 : memref<16x1024xf32, #tpu.memory_space<vmem>>) dst(%dma_wait3A_484 : memref<16x1024xf32, #tpu.memory_space<hbm>>)
    %dma_wait3A_489 = arith.constant 4 : i32
    %dma_wait3A_490 = arith.constant 4 : i32
    %dma_wait3A_491 = arith.constant 0 : i32
    %dma_wait3A_492 = arith.constant 0 : i32
    %dma_wait3A_493 = tpu.memref_slice %arg8[%dma_wait3A_489, %dma_wait3A_491, %dma_wait3A_492] : memref<7x16x1024xf32, #tpu.memory_space<vmem>> -> memref<1x16x1024xf32, #tpu.memory_space<vmem>>
    %dma_wait3A_494 = tpu.memref_squeeze %dma_wait3A_493 : memref<1x16x1024xf32, #tpu.memory_space<vmem>> -> memref<16x1024xf32, #tpu.memory_space<vmem>>
    %dma_wait3A_495 = arith.constant 0 : i32
    %dma_wait3A_496 = tpu.memref_slice %arg5[%add3A_19, %dma_wait3A_495] : memref<4096x1024xf32, #tpu.memory_space<hbm>> -> memref<16x1024xf32, #tpu.memory_space<hbm>>
    %dma_wait3A_497 = tpu.memref_slice %arg12[%dma_wait3A_490] : memref<7x!tpu.dma_semaphore, #tpu.memory_space<semaphore_mem>> -> memref<1x!tpu.dma_semaphore, #tpu.memory_space<semaphore_mem>>
    %dma_wait3A_498 = tpu.memref_squeeze %dma_wait3A_497 : memref<1x!tpu.dma_semaphore, #tpu.memory_space<semaphore_mem>> -> memref<!tpu.dma_semaphore, #tpu.memory_space<semaphore_mem>>
    %dma_wait3A_499 = arith.constant 0 : i32
    %dma_wait3A_500 = tpu.memref_slice %arg5[%add3A_19, %dma_wait3A_499] : memref<4096x1024xf32, #tpu.memory_space<hbm>> -> memref<16x1024xf32, #tpu.memory_space<hbm>>
    %dma_wait3A_501 = arith.constant 0 : i32
    %dma_wait3A_502 = arith.constant 0 : i32
    %dma_wait3A_503 = tpu.memref_slice %arg8[%dma_wait3A_489, %dma_wait3A_501, %dma_wait3A_502] : memref<7x16x1024xf32, #tpu.memory_space<vmem>> -> memref<1x16x1024xf32, #tpu.memory_space<vmem>>
    %dma_wait3A_504 = tpu.memref_squeeze %dma_wait3A_503 : memref<1x16x1024xf32, #tpu.memory_space<vmem>> -> memref<16x1024xf32, #tpu.memory_space<vmem>>
    tpu.wait_dma2 semaphore(%dma_wait3A_498 : memref<!tpu.dma_semaphore, #tpu.memory_space<semaphore_mem>>) src(%dma_wait3A_504 : memref<16x1024xf32, #tpu.memory_space<vmem>>) dst(%dma_wait3A_500 : memref<16x1024xf32, #tpu.memory_space<hbm>>)
    %dma_wait3A_505 = arith.constant 5 : i32
    %dma_wait3A_506 = arith.constant 5 : i32
    %dma_wait3A_507 = arith.constant 0 : i32
    %dma_wait3A_508 = arith.constant 0 : i32
    %dma_wait3A_509 = tpu.memref_slice %arg8[%dma_wait3A_505, %dma_wait3A_507, %dma_wait3A_508] : memref<7x16x1024xf32, #tpu.memory_space<vmem>> -> memref<1x16x1024xf32, #tpu.memory_space<vmem>>
    %dma_wait3A_510 = tpu.memref_squeeze %dma_wait3A_509 : memref<1x16x1024xf32, #tpu.memory_space<vmem>> -> memref<16x1024xf32, #tpu.memory_space<vmem>>
    %dma_wait3A_511 = arith.constant 0 : i32
    %dma_wait3A_512 = tpu.memref_slice %arg5[%add3A_21, %dma_wait3A_511] : memref<4096x1024xf32, #tpu.memory_space<hbm>> -> memref<16x1024xf32, #tpu.memory_space<hbm>>
    %dma_wait3A_513 = tpu.memref_slice %arg12[%dma_wait3A_506] : memref<7x!tpu.dma_semaphore, #tpu.memory_space<semaphore_mem>> -> memref<1x!tpu.dma_semaphore, #tpu.memory_space<semaphore_mem>>
    %dma_wait3A_514 = tpu.memref_squeeze %dma_wait3A_513 : memref<1x!tpu.dma_semaphore, #tpu.memory_space<semaphore_mem>> -> memref<!tpu.dma_semaphore, #tpu.memory_space<semaphore_mem>>
    %dma_wait3A_515 = arith.constant 0 : i32
    %dma_wait3A_516 = tpu.memref_slice %arg5[%add3A_21, %dma_wait3A_515] : memref<4096x1024xf32, #tpu.memory_space<hbm>> -> memref<16x1024xf32, #tpu.memory_space<hbm>>
    %dma_wait3A_517 = arith.constant 0 : i32
    %dma_wait3A_518 = arith.constant 0 : i32
    %dma_wait3A_519 = tpu.memref_slice %arg8[%dma_wait3A_505, %dma_wait3A_517, %dma_wait3A_518] : memref<7x16x1024xf32, #tpu.memory_space<vmem>> -> memref<1x16x1024xf32, #tpu.memory_space<vmem>>
    %dma_wait3A_520 = tpu.memref_squeeze %dma_wait3A_519 : memref<1x16x1024xf32, #tpu.memory_space<vmem>> -> memref<16x1024xf32, #tpu.memory_space<vmem>>
    tpu.wait_dma2 semaphore(%dma_wait3A_514 : memref<!tpu.dma_semaphore, #tpu.memory_space<semaphore_mem>>) src(%dma_wait3A_520 : memref<16x1024xf32, #tpu.memory_space<vmem>>) dst(%dma_wait3A_516 : memref<16x1024xf32, #tpu.memory_space<hbm>>)
    %dma_wait3A_521 = arith.constant 6 : i32
    %dma_wait3A_522 = arith.constant 6 : i32
    %dma_wait3A_523 = arith.constant 0 : i32
    %dma_wait3A_524 = arith.constant 0 : i32
    %dma_wait3A_525 = tpu.memref_slice %arg8[%dma_wait3A_521, %dma_wait3A_523, %dma_wait3A_524] : memref<7x16x1024xf32, #tpu.memory_space<vmem>> -> memref<1x16x1024xf32, #tpu.memory_space<vmem>>
    %dma_wait3A_526 = tpu.memref_squeeze %dma_wait3A_525 : memref<1x16x1024xf32, #tpu.memory_space<vmem>> -> memref<16x1024xf32, #tpu.memory_space<vmem>>
    %dma_wait3A_527 = arith.constant 0 : i32
    %dma_wait3A_528 = tpu.memref_slice %arg5[%add3A_23, %dma_wait3A_527] : memref<4096x1024xf32, #tpu.memory_space<hbm>> -> memref<16x1024xf32, #tpu.memory_space<hbm>>
    %dma_wait3A_529 = tpu.memref_slice %arg12[%dma_wait3A_522] : memref<7x!tpu.dma_semaphore, #tpu.memory_space<semaphore_mem>> -> memref<1x!tpu.dma_semaphore, #tpu.memory_space<semaphore_mem>>
    %dma_wait3A_530 = tpu.memref_squeeze %dma_wait3A_529 : memref<1x!tpu.dma_semaphore, #tpu.memory_space<semaphore_mem>> -> memref<!tpu.dma_semaphore, #tpu.memory_space<semaphore_mem>>
    %dma_wait3A_531 = arith.constant 0 : i32
    %dma_wait3A_532 = tpu.memref_slice %arg5[%add3A_23, %dma_wait3A_531] : memref<4096x1024xf32, #tpu.memory_space<hbm>> -> memref<16x1024xf32, #tpu.memory_space<hbm>>
    %dma_wait3A_533 = arith.constant 0 : i32
    %dma_wait3A_534 = arith.constant 0 : i32
    %dma_wait3A_535 = tpu.memref_slice %arg8[%dma_wait3A_521, %dma_wait3A_533, %dma_wait3A_534] : memref<7x16x1024xf32, #tpu.memory_space<vmem>> -> memref<1x16x1024xf32, #tpu.memory_space<vmem>>
    %dma_wait3A_536 = tpu.memref_squeeze %dma_wait3A_535 : memref<1x16x1024xf32, #tpu.memory_space<vmem>> -> memref<16x1024xf32, #tpu.memory_space<vmem>>
    tpu.wait_dma2 semaphore(%dma_wait3A_530 : memref<!tpu.dma_semaphore, #tpu.memory_space<semaphore_mem>>) src(%dma_wait3A_536 : memref<16x1024xf32, #tpu.memory_space<vmem>>) dst(%dma_wait3A_532 : memref<16x1024xf32, #tpu.memory_space<hbm>>)
    %dma_wait3A_537 = arith.constant 0 : i32
    %dma_wait3A_538 = arith.constant 0 : i32
    %dma_wait3A_539 = arith.constant 0 : i32
    %dma_wait3A_540 = arith.constant 0 : i32
    %dma_wait3A_541 = tpu.memref_slice %arg8[%dma_wait3A_537, %dma_wait3A_539, %dma_wait3A_540] : memref<7x16x1024xf32, #tpu.memory_space<vmem>> -> memref<1x16x1024xf32, #tpu.memory_space<vmem>>
    %dma_wait3A_542 = tpu.memref_squeeze %dma_wait3A_541 : memref<1x16x1024xf32, #tpu.memory_space<vmem>> -> memref<16x1024xf32, #tpu.memory_space<vmem>>
    %dma_wait3A_543 = arith.constant 0 : i32
    %dma_wait3A_544 = tpu.memref_slice %arg5[%add3A_25, %dma_wait3A_543] : memref<4096x1024xf32, #tpu.memory_space<hbm>> -> memref<16x1024xf32, #tpu.memory_space<hbm>>
    %dma_wait3A_545 = tpu.memref_slice %arg12[%dma_wait3A_538] : memref<7x!tpu.dma_semaphore, #tpu.memory_space<semaphore_mem>> -> memref<1x!tpu.dma_semaphore, #tpu.memory_space<semaphore_mem>>
    %dma_wait3A_546 = tpu.memref_squeeze %dma_wait3A_545 : memref<1x!tpu.dma_semaphore, #tpu.memory_space<semaphore_mem>> -> memref<!tpu.dma_semaphore, #tpu.memory_space<semaphore_mem>>
    %dma_wait3A_547 = arith.constant 0 : i32
    %dma_wait3A_548 = tpu.memref_slice %arg5[%add3A_25, %dma_wait3A_547] : memref<4096x1024xf32, #tpu.memory_space<hbm>> -> memref<16x1024xf32, #tpu.memory_space<hbm>>
    %dma_wait3A_549 = arith.constant 0 : i32
    %dma_wait3A_550 = arith.constant 0 : i32
    %dma_wait3A_551 = tpu.memref_slice %arg8[%dma_wait3A_537, %dma_wait3A_549, %dma_wait3A_550] : memref<7x16x1024xf32, #tpu.memory_space<vmem>> -> memref<1x16x1024xf32, #tpu.memory_space<vmem>>
    %dma_wait3A_552 = tpu.memref_squeeze %dma_wait3A_551 : memref<1x16x1024xf32, #tpu.memory_space<vmem>> -> memref<16x1024xf32, #tpu.memory_space<vmem>>
    tpu.wait_dma2 semaphore(%dma_wait3A_546 : memref<!tpu.dma_semaphore, #tpu.memory_space<semaphore_mem>>) src(%dma_wait3A_552 : memref<16x1024xf32, #tpu.memory_space<vmem>>) dst(%dma_wait3A_548 : memref<16x1024xf32, #tpu.memory_space<hbm>>)
    return
  }
}

</mosaic_0001>

<sc_bundles>
// kernel: kernel.3.cloned.1.call-start
scs
__scs_entry_jumppad:
0x0: {  	(pc) =	sbr.rel $0x88, $3  }
0x1: {  	(tag) =	ssettag $0x0;
	lr =	simm.s32 $0x1  }
0x2: {  	[smem:$0x3F9E] =	sst lr;
	_ =	strace $0xD0000000  }
0x3: {  	_ = 	snop  }
0x4: {  	_ = 	snop  }
0x5: {  	_ = 	snop  }
0x6: {  	_ = 	snop  }
0x7: {  	_ = 	snop  }
__scs_overlays_trampoline_lowered:
0x8: {  	[smem:$0x3FAD] =	sst s0  }
0x9: {  	[smem:$0x3FAE] =	sst s1  }
0xa: {  	[smem:$0x3FAF] =	sst s2  }
0xb: {  	[smem:$0x3FB0] =	sst s3  }
0xc: {  	[smem:$0x3FB1] =	sst s4  }
0xd: {  	[smem:$0x3FB2] =	sst s5  }
0xe: {  	[smem:$0x3FB3] =	sst s6  }
0xf: {  	[smem:$0x3FB4] =	sst s7  }
0x10: {  	[smem:$0x3FB5] =	sst s8  }
0x11: {  	[smem:$0x3FB6] =	sst s9;
	s0 =	simm.s32 @!p0 $0x0  }
0x12: {  	s1 =	sld [smem:$0x3F9C];
	s0 =	simm.s32 @p0 $0x1  }
0x13: {  	[smem:$0x3FB7] =	sst s0;
	s0 =	simm.s32 @!p1 $0x0  }
0x14: {  	s2 =	sld [smem:$0x3F9B];
	s0 =	simm.s32 @p1 $0x1  }
0x15: {  	[smem:$0x3FB8] =	sst s0;
	s0 =	simm.s32 @!p2 $0x0  }
0x16: {  	s3 =	sld [smem:$0x3FDB];
	s0 =	simm.s32 @p2 $0x1  }
0x17: {  	s4 =	simm.s32 $0x1BF5;
	[smem:$0x3FBA] =	sst s0  }
0x18: {  	s0 =	sld [smem:$0x3F9D];
	_ =	swait.ge [sflag:s4], $0x0  }
0x19: {  	s7 =	sld [smem:$0x3F9E]  }
0x1a: {  	s8 =	sadd.s32 $0xFFFFE003, lr  }
0x1b: {  	s9 =	sadd.s32 $0xFFFFFEF7, lr;
	s5 =	simm.s32 $0xFFFFFFFF;
	p2 =	slt.u32 s8, $0xFFFFF086  }
0x1c: {  	p1 =	slt.u32 s9, $0xF7A;
	s5 =	simm.s32 @!p2 $0x0  }
0x1d: {  	s5 =	simm.s32 @p1 $0x1;
	p0 =	seq.s32 s7, s2  }
0x1e: {  	s7 =	smul.u32 @!p0 $0xF7A, s2;
	p2 =	seq.s32 @!p0 s5, $0x0  }
0x1f: {  	s9 =	smul.u32 $0xF7A, s1;
	s8 =	simm.s32 @!p0 $0x1BF5;
	p2 =	por !p2, p0  }
0x20: {  	[sflag:s8] =	ssyncset.s32 @!p0 $0xFFFFF086;
	s6 =	sadd.s32 @!p0 s3, s7;
	s7 =	simm.s32 @!p0 $0x108  }
0x21: {  	s3 =	sadd.s32 s3, s9;
	s6 =	sadd.s32 @!p0 $0x88, s6;
	s7 =	simm.s32 @p2 $0x1082  }
0x22: {  	[simem:s7], [sflag:s8] =	dma.local @!p0 [hbm:s6], $0xF7A  }
0x23: {  	s9 =	sor.u32 $0xD0000000, s2;
	s6 =	simm.s32 $0x108;
	_ =	swait.ge @!p0 [sflag:s8], $0x0  }
0x24: {  	s3 =	sadd.s32 $0x88, s3;
	s6 =	simm.s32 @!p1 $0x1082;
	[sflag:s4] =	ssyncset.s32 $0xFFFFF086  }
0x25: {  	[simem:s6], [sflag:s4] =	dma.local [hbm:s3], $0xF7A  }
0x26: {  	[smem:$0x3F9E] =	sst s1;
	(tag) =	ssettag s2;
	_ =	strace s9  }
0x27: {  	s1 =	sld [smem:$0x3FAE]  }
0x28: {  	s2 =	sld [smem:$0x3FAF]  }
0x29: {  	s4 =	sld [smem:$0x3FB1]  }
0x2a: {  	p0 =	seq.s32 s5, $0x0;
	s5 =	sld [smem:$0x3FB2]  }
0x2b: {  	s6 =	sld [smem:$0x3FB3]  }
0x2c: {  	s7 =	sld [smem:$0x3FB4]  }
0x2d: {  	s3 =	simm.s32 $0x108;
	s8 =	sld [smem:$0x3FB5]  }
0x2e: {  	s3 =	simm.s32 @!p0 $0x1082;
	s9 =	sld [smem:$0x3FB6]  }
0x2f: {  	lr =	sadd.s32 s0, s3;
	s0 =	sld [smem:$0x3FAD]  }
0x30: {  	s3 =	sld [smem:$0x3FB0]  }
0x31: {  	[smem:$0x3FB9] =	sst s10  }
0x32: {  	s10 =	sld [smem:$0x3FB7];
	_ =	sdelay $0x3  }
0x33: {  	p0 =	seq.s32 s10, $0x1;
	s10 =	sld [smem:$0x3FB9];
	_ =	sdelay $0x3  }
0x34: {  	[smem:$0x3FB9] =	sst s10  }
0x35: {  	s10 =	sld [smem:$0x3FB8];
	_ =	sdelay $0x3  }
0x36: {  	p1 =	seq.s32 s10, $0x1;
	s10 =	sld [smem:$0x3FB9];
	_ =	sdelay $0x3  }
0x37: {  	[smem:$0x3FB9] =	sst s10  }
0x38: {  	s10 =	sld [smem:$0x3FBA]  }
0x39: {  	_ = 	snop;
	(pc) =	sbr.ind lr, $3  }
0x3a: {  	_ = 	snop  }
0x3b: {  	_ = 	snop  }
0x3c: {  	p2 =	seq.s32 s10, $0x1;
	s10 =	sld [smem:$0x3FB9]  }
0x3d: {  	_ =	shalt  }
0x3e: {  	_ =	shalt  }
0x3f: {  	_ =	shalt  }
0x40: {  	_ =	shalt  }
0x41: {  	_ =	shalt  }
0x42: {  	_ =	shalt  }
0x43: {  	_ =	shalt  }
0x44: {  	_ =	shalt  }
0x45: {  	_ =	shalt  }
0x46: {  	_ =	shalt  }
0x47: {  	_ =	shalt  }
0x48: {  	_ =	shalt  }
0x49: {  	_ =	shalt  }
0x4a: {  	_ =	shalt  }
0x4b: {  	_ =	shalt  }
0x4c: {  	_ =	shalt  }
0x4d: {  	_ =	shalt  }
0x4e: {  	_ =	shalt  }
0x4f: {  	_ =	shalt  }
0x50: {  	_ =	shalt  }
0x51: {  	_ =	shalt  }
0x52: {  	_ =	shalt  }
0x53: {  	_ =	shalt  }
0x54: {  	_ =	shalt  }
0x55: {  	_ =	shalt  }
0x56: {  	_ =	shalt  }
0x57: {  	_ =	shalt  }
0x58: {  	_ =	shalt  }
0x59: {  	_ =	shalt  }
0x5a: {  	_ =	shalt  }
0x5b: {  	_ =	shalt  }
0x5c: {  	_ =	shalt  }
0x5d: {  	_ =	shalt  }
0x5e: {  	_ =	shalt  }
0x5f: {  	_ =	shalt  }
0x60: {  	_ =	shalt  }
0x61: {  	_ =	shalt  }
0x62: {  	_ =	shalt  }
0x63: {  	_ =	shalt  }
0x64: {  	_ =	shalt  }
0x65: {  	_ =	shalt  }
0x66: {  	_ =	shalt  }
0x67: {  	_ =	shalt  }
0x68: {  	_ =	shalt  }
0x69: {  	_ =	shalt  }
0x6a: {  	_ =	shalt  }
0x6b: {  	_ =	shalt  }
0x6c: {  	_ =	shalt  }
0x6d: {  	_ =	shalt  }
0x6e: {  	_ =	shalt  }
0x6f: {  	_ =	shalt  }
0x70: {  	_ =	shalt  }
0x71: {  	_ =	shalt  }
0x72: {  	_ =	shalt  }
0x73: {  	_ =	shalt  }
0x74: {  	_ =	shalt  }
0x75: {  	_ =	shalt  }
0x76: {  	_ =	shalt  }
0x77: {  	_ =	shalt  }
0x78: {  	_ =	shalt  }
0x79: {  	_ =	shalt  }
0x7a: {  	_ =	shalt  }
0x7b: {  	_ =	shalt  }
0x7c: {  	_ =	shalt  }
0x7d: {  	_ =	shalt  }
0x7e: {  	_ =	shalt  }
0x7f: {  	_ =	shalt  }
0x80: {  	_ =	shalt  }
0x81: {  	_ =	shalt  }
0x82: {  	_ =	shalt  }
0x83: {  	_ =	shalt  }
0x84: {  	_ =	shalt  }
0x85: {  	_ =	shalt  }
0x86: {  	_ =	shalt  }
0x87: {  	_ =	shalt  }
.Lfunc_end0:
.L_simem_size_0:
called_computation_lowered:
.L_overlay_start_0:
0x88: {  	s2 =	sld [smem:$0x3FD9]  }
0x89: {  	s3 =	sld [smem:$0x3FFE];
	_ =	sdelay $0x1  }
0x8a: {  	s1 =	srdreg.scid  }
0x8b: {  	s0 =	sand.u32 $0x1, s1  }
0x8c: {  	s17 =	sshll.u32 s0, $0xA;
	s2 =	sadd.s32 s3, s2  }
0x8d: {  	s2 =	sadd.s32 s2, s17  }
0x8e: {  	[smem:$0x3FC5] =	sst s2  }
0x8f: {  	_ = 	snop  }
0x90: {  	s2 =	sld [smem:$0x3FC9]  }
0x91: {  	s18 =	sld [smem:$0x3FC7]  }
0x92: {  	s4 =	sld [smem:$0x3FD0];
	(tm) =	ssettm $0x1  }
0x93: {  	s5 =	sld [smem:$0x3FFB];
	_ =	sdelay $0x3  }
0x94: {  	_ =	strace s5  }
0x95: {  	s5 =	sld [smem:$0x3FFC];
	_ =	sdelay $0x3  }
0x96: {  	_ =	strace s5  }
0x97: {  	s5 =	sld [smem:$0x3FFD];
	_ =	sdelay $0x3  }
0x98: {  	_ =	strace s5  }
0x99: {  	_ =	strace $0x8FFFFFFF  }
0x9a: {  	s19 =	sld [smem:$0x3FDB];
	_ =	sdelay $0x1  }
0x9b: {  	s6 =	simm.s32 $_scs_section_size  }
0x9c: {  	s7 =	simm.s32 $_size__tile_overlayer_lowered;
	s8 =	simm.s32 $_tile_overlayer_lowered  }
0x9d: {  	s22 =	simm.s32 $0x1BFF;
	s21 =	sshll.u32 s8, $0x1;
	s5 =	sadd.s32 s6, s19  }
0x9e: {  	s9 =	simm.s32 $0x0;
	s20 =	sshll.u32 s7, $0x1;
	s7 =	sadd.s32 s21, s5  }
0x9f: {  	[timem:s9], [sflag:s22] =	dma.local [hbm:s7], s20  }
0xa0: {  	_ =	swait.ge [sflag:s22], s20  }
0xa1: {  	s6 =	ssub.s32 $0x0, s20;
	[sflag:s22] =	ssyncset.done $0x0  }
0xa2: {  	[sflag:s22] =	ssyncadd.s32 s6;
	_ =	sdelay $0x1  }
0xa3: {  	s23 =	simm.s32 $0x1B8B  }
0xa4: {  	_ =	swait.ge [sflag:s23], $0x1  }
0xa5: {  	[sflag:s23] =	ssyncset.done $0x0  }
0xa6: {  	s25 =	simm.s32 $0x1B8E;
	s24 =	sld [smem:$0x3FFE];
	[sflag:s23] =	ssyncadd.s32 $0xFFFFFFFF  }
0xa7: {  	s26 =	simm.s32 $execute0_lowered;
	[smem:$0x3FD2] =	sst s25  }
0xa8: {  	s7 =	sshll.u32 s26, $0x1;
	_ =	strace $0x80000046;
	[dreg:$0x1] =	wrdreg $0xFFFFFFFF  }
0xa9: {  	s28 =	simm.s32 $_size_execute0_lowered;
	s5 =	sadd.s32 s5, s7;
	[dreg:$0x0] =	wrdreg $0x0  }
0xaa: {  	s7 =	sshll.u32 s28, $0x1;
	[dreg:$0x2] =	wrdreg s5  }
0xab: {  	[dreg:$0x3] =	wrdreg s7  }
0xac: {  	[dreg:$0x4] =	wrdreg $0xC0  }
0xad: {  	_ =	task [dreg:s9], $0x5FFFF  }
0xae: {  	[dreg:$0x1] =	wrdreg $0xFFFFFFFF  }
0xaf: {  	[dreg:$0x0] =	wrdreg $0x60  }
0xb0: {  	[dreg:$0x2] =	wrdreg s2  }
0xb1: {  	[dreg:$0x3] =	wrdreg s24  }
0xb2: {  	[dreg:$0x4] =	wrdreg s18  }
0xb3: {  	[dreg:$0x5] =	wrdreg s4  }
0xb4: {  	[dreg:$0x6] =	wrdreg $0x9  }
0xb5: {  	_ =	task.clear_ibuf [dreg:s9], $0x7FFFF;
	_ =	strace $0x90000046  }
0xb6: {  	s29 =	simm.s32 $0x9;
	_ =	strace $0x80000048  }
0xb7: {  	_ =	swait.ge [sflag:s29], $0x1  }
0xb8: {  	[sflag:s29] =	ssyncadd.s32 $0xFFFFFFFF  }
0xb9: {  	_ =	strace $0x90000048  }
0xba: {  	_ =	sfence  }
0xbb: {  	s30 =	sld [smem:$0x0];
	_ =	sdelay $0x2  }
0xbc: {  	s31 =	sshll.u32 s1, $0xD;
	s1 =	sshrl.u32 s1, $0x2  }
0xbd: {  	s3 =	sand.u32 $0x4000, s31;
	s1 =	sadd.s32 s1, s30  }
0xbe: {  	s0 =	sor.u32 s3, s0;
	s1 =	sshll.u32 s1, $0x11  }
0xbf: {  	s0 =	sor.u32 s1, s0  }
0xc0: {  	s0 =	sadd.s32 $0x8F2B, s0  }
0xc1: {  	[sflag:s0] =	ssyncadd.remote.s32 $0x1  }
0xc2: {  	_ =	sfence.sel $0xFFFF  }
0xc3: {  	[dreg:$0x0] =	wrdreg $0xFFFFFFFF;
	(pc) =	sbr.abs _section_cstart, $3  }
0xc4: {  	[dreg:$0x1] =	wrdreg $0xFFFFFFFF  }
0xc5: {  	_ =	task.clear_ibuf [dreg:s9], $0x2FFFF;
	_ =	strace $0x9FFFFFFF  }
0xc6: {  	(tm) =	ssettm $0x7FFFFFFF  }
0xc7: {  	_ =	shalt  }
tec
execute0_lowered:
.L_overlay_start_1:
0x0: {  	(tag) =	ssettag $0x1  }
0x1: {  	s2 =	rddreg [dreg:$0x0]  }
0x2: {  	s4 =	rddreg [dreg:$0x1]  }
0x3: {  	s1 =	rddreg [dreg:$0x2]  }
0x4: {  	s5 =	rddreg [dreg:$0x3];
	s3 =	simm.s32 $0x0  }
0x5: {  	[smem:$0x7FF] =	sst s3;
	s4 =	sadd.s32 $0x400, s4  }
0x6: {  	s8 =	simm.s32 $0x5900;
	_ =	strace $0x80000047;
	[dreg:$0x5] =	wrdreg s4  }
0x7: {  	s9 =	simm.s32 $0x6100;
	[dreg:$0x11] =	wrdreg s8  }
0x8: {  	s10 =	simm.s32 $0x6900;
	[dreg:$0x12] =	wrdreg s9  }
0x9: {  	s11 =	simm.s32 $0x7100;
	[dreg:$0x13] =	wrdreg s10  }
0xa: {  	s12 =	simm.s32 $0x7900;
	[dreg:$0x14] =	wrdreg s11  }
0xb: {  	s13 =	simm.s32 $0x8900;
	[dreg:$0x15] =	wrdreg s12  }
0xc: {  	s14 =	simm.s32 $0x9100;
	[dreg:$0x16] =	wrdreg s13  }
0xd: {  	s15 =	simm.s32 $0x9900;
	[dreg:$0x17] =	wrdreg s14  }
0xe: {  	s16 =	simm.s32 $0xA100;
	[dreg:$0x18] =	wrdreg s15  }
0xf: {  	s17 =	simm.s32 $0xA900;
	[dreg:$0x19] =	wrdreg s16  }
0x10: {  	s18 =	simm.s32 $0xB100;
	[dreg:$0x1a] =	wrdreg s17  }
0x11: {  	s19 =	simm.s32 $0xB900;
	[dreg:$0x1b] =	wrdreg s18  }
0x12: {  	[dreg:$0x1c] =	wrdreg s19;
	s8 =	simm.s32 $0x11900  }
0x13: {  	s9 =	simm.s32 $0x12100;
	[smem:$0x7EB] =	sst s8  }
0x14: {  	s10 =	simm.s32 $0x12900;
	[smem:$0x7EC] =	sst s9  }
0x15: {  	s11 =	simm.s32 $0x13100;
	[smem:$0x7ED] =	sst s10  }
0x16: {  	s12 =	simm.s32 $0x13900;
	[smem:$0x7EE] =	sst s11  }
0x17: {  	s0 =	srdreg.scid;
	s13 =	simm.s32 $0x14900;
	[smem:$0x7EF] =	sst s12  }
0x18: {  	s6 =	stileid.u32;
	s14 =	simm.s32 $0x15100;
	[smem:$0x7F0] =	sst s13  }
0x19: {  	s0 =	sand.u32 $0x1, s0;
	s15 =	simm.s32 $0x15900;
	[smem:$0x7F1] =	sst s14  }
0x1a: {  	s6 =	sshll.u32 s6, $0x8;
	s16 =	simm.s32 $0x16100;
	[smem:$0x7F2] =	sst s15  }
0x1b: {  	s7 =	sshll.u32 s0, $0x7;
	s17 =	simm.s32 $0x16900;
	[smem:$0x7F3] =	sst s16  }
0x1c: {  	s18 =	simm.s32 $0x17100;
	s6 =	sor.u32 s7, s6;
	[smem:$0x7F4] =	sst s17  }
0x1d: {  	s19 =	simm.s32 $0x17900;
	[smem:$0x7F5] =	sst s18;
	s7 =	sshrl.u32 s6, $0x3  }
0x1e: {  	[smem:$0x7F6] =	sst s19;
	s6 =	sshll.u32 s6, $0x7;
	s2 =	sadd.s32 s2, s7  }
0x1f: {  	s20 =	sadd.s32 s5, s6;
	[dreg:$0x6] =	wrdreg s2  }
0x20: {  	s5 =	simm.s32 $0x80;
	[smem:$0x7E4] =	sst s20  }
0x21: {  	s6 =	simm.s32 $0x4900;
	[dreg:$0xe] =	wrdreg s5  }
0x22: {  	s7 =	simm.s32 $0x5100;
	[dreg:$0xf] =	wrdreg s6  }
0x23: {  	s21 =	sadd.s32 $0x800, s20;
	[dreg:$0x10] =	wrdreg s7  }
0x24: {  	s22 =	sadd.s32 $0x1000, s20;
	[dreg:$0x7] =	wrdreg s21  }
0x25: {  	s23 =	sadd.s32 $0x1800, s20;
	[dreg:$0x8] =	wrdreg s22  }
0x26: {  	s28 =	simm.s32 $0x8100;
	s24 =	sadd.s32 $0x2000, s20;
	[dreg:$0x9] =	wrdreg s23  }
0x27: {  	s29 =	simm.s32 $0xC100;
	s25 =	sadd.s32 $0x2800, s20;
	[dreg:$0xa] =	wrdreg s24  }
0x28: {  	s30 =	simm.s32 $0x10100;
	s26 =	sadd.s32 $0x3000, s20;
	[dreg:$0xb] =	wrdreg s25  }
0x29: {  	s31 =	simm.s32 $0x14100;
	s4 =	sadd.s32 $0x3800, s20;
	[dreg:$0xc] =	wrdreg s26  }
0x2a: {  	s0 =	ssub.s32 $0x2, s0;
	s20 =	simm.s32 $0xC900;
	[dreg:$0xd] =	wrdreg s4  }
0x2b: {  	s11 =	simm.s32 $0x100;
	s5 =	simm.s32 $0xF900;
	[dreg:$0x1d] =	wrdreg s20  }
0x2c: {  	s12 =	simm.s32 $0xC;
	s6 =	simm.s32 $0x10900;
	[smem:$0x7E8] =	sst s5  }
0x2d: {  	s13 =	simm.s32 $0xD;
	s7 =	simm.s32 $0x11100;
	[smem:$0x7E9] =	sst s6  }
0x2e: {  	s14 =	simm.s32 $0xE;
	s21 =	simm.s32 $0xD100;
	[smem:$0x7EA] =	sst s7  }
0x2f: {  	s15 =	simm.s32 $0xF;
	s22 =	simm.s32 $0xD900;
	[dreg:$0x1e] =	wrdreg s21  }
0x30: {  	s16 =	simm.s32 $0x10;
	s23 =	simm.s32 $0xE100;
	[dreg:$0x1f] =	wrdreg s22  }
0x31: {  	s10 =	simm.s32 $0x4100;
	s24 =	simm.s32 $0xE900;
	[smem:$0x7E5] =	sst s23  }
0x32: {  	s2 =	simm.s32 $0x9;
	s25 =	simm.s32 $0xF100;
	[smem:$0x7E6] =	sst s24  }
0x33: {  	s26 =	sshrl.u32 s0, $0x1;
	s20 =	simm.s32 $0x18900;
	[smem:$0x7E7] =	sst s25  }
0x34: {  	s5 =	sadd.s32 $0x100, s1;
	[smem:$0x7F7] =	sst s20;
	s21 =	simm.s32 $0x19100  }
0x35: {  	s6 =	sadd.s32 $0x200, s1;
	s22 =	simm.s32 $0x19900;
	[smem:$0x7F8] =	sst s21  }
0x36: {  	s7 =	sadd.s32 $0x300, s1;
	s23 =	simm.s32 $0x1A100;
	[smem:$0x7F9] =	sst s22  }
0x37: {  	s4 =	simm.s32 $0xB;
	s24 =	simm.s32 $0x1A900;
	[smem:$0x7FA] =	sst s23  }
0x38: {  	s0 =	ssub.s32 s0, s26;
	s25 =	simm.s32 $0x1B100;
	[smem:$0x7FB] =	sst s24  }
0x39: {  	s26 =	simm.s32 $0x1B900;
	s20 =	simm.s32 $0x1100;
	[smem:$0x7FC] =	sst s25  }
0x3a: {  	v2 =	vlaneseq.u32;
	s8 =	smax.u32 s0, $0x1;
	[smem:$0x7FD] =	sst s26;
	s25 =	simm.s32 $0x3  }
0x3b: {  	vm0 =	vmmov $0xffff;
	v1 =	vshrl.u32 v2, $0x3;
	s26 =	simm.s32 $0xA;
	s21 =	simm.s32 $0x1900;
	s22 =	simm.s32 $0x2100  }
0x3c: {  	v0 =	vand.u32 $0x7, v2;
	v2 =	vor.u32 $0x8, v2;
	v1 =	vmul.u32 $0x8, v1;
	s23 =	simm.s32 $0x2900;
	s24 =	simm.s32 $0x3100;
	s0 =	simm.s32 $0x18100  }
.LBB2_1:
0x3d: {  	s17 =	rddreg [dreg:$0x6]  }
0x3e: {  	s18 =	rddreg [dreg:$0x5]  }
0x3f: {  	[tilespmem:s3], [sflag:$0x1] =	stream.linear.gather [hbm4b:s17+s3], $0x80, $0x38;
	[tilespmem:$0x1C100] =	vst v63  }
0x40: {  	s19 =	rddreg [dreg:$0xe];
	s9 =	simm.s32 $0x1  }
0x41: {  	[tilespmem:s19], [sflag:$0x2] =	stream.linear.gather [hbm4b:s18+s3], $0x80, $0x38;
	[tilespmem:$0x1C100] =	vst v63  }
0x42: {  	_ =	swait.ge [sflag:s9], $0x80  }
0x43: {  	[sflag:s9] =	ssyncset.done $0x0  }
0x44: {  	s17 =	simm.s32 $0x2;
	[sflag:s9] =	ssyncadd.s32 $0xFFFFFF80  }
0x45: {  	_ =	swait.ge [sflag:s17], $0x80  }
0x46: {  	[sflag:s17] =	ssyncset.done $0x0  }
0x47: {  	[sflag:s17] =	ssyncadd.s32 $0xFFFFFF80  }
0x48: {  	v3 =	vld [tilespmem:$0x80];
	_ =	sdelay $0x1  }
0x49: {  	v4 =	vld [tilespmem:$0x0];
	_ =	sdelay $0x2  }
0x4a: {  	v3 =	vmul.u32 $0xC00, v3;
	_ =	sdelay $0x1  }
0x4b: {  	v5 =	vadd.s32 v3, v4  }
0x4c: {  	v6 =	vshll.u32 v5, $0x3  }
0x4d: {  	v4 =	vand.u32 $0x7, v4;
	v6 =	vand.u32 $0xFFFFFFC0, v6  }
0x4e: {  	v4 =	vor.u32 v4, v6  }
0x4f: {  	v6 =	vperm.xlane v4, v0;
	_ =	sdelay $0x1  }
0x50: {  	v6 =	vadd.s32 v1, v6;
	_ =	sdelay $0x3  }
0x51: {  	[tilespmem:$0x0] =	vst v5  }
0x52: {  	[tilespmem:s11], [sflag:$0x3] =	stream.indirect_vreg.gather [hbm4b:s1+s3], $0x80, v6, vm0, $0xb8;
	[tilespmem:$0x1C100] =	vst v63  }
0x53: {  	s19 =	simm.s32 $0x900;
	v4 =	vperm.xlane v4, v2  }
0x54: {  	[tilespmem:s19], [sflag:$0x3] =	stream.indirect_vreg.gather [hbm4b:s5+s3], $0x80, v6, vm0, $0xb8;
	[tilespmem:$0x1C100] =	vst v63  }
0x55: {  	v4 =	vadd.s32 v1, v4  }
0x56: {  	[tilespmem:s20], [sflag:$0x3] =	stream.indirect_vreg.gather [hbm4b:s6+s3], $0x80, v6, vm0, $0xb8;
	[tilespmem:$0x1C100] =	vst v63  }
0x57: {  	_ = 	snop  }
0x58: {  	[tilespmem:s21], [sflag:$0x3] =	stream.indirect_vreg.gather [hbm4b:s7+s3], $0x80, v6, vm0, $0xb8;
	[tilespmem:$0x1C100] =	vst v63  }
0x59: {  	_ = 	snop  }
0x5a: {  	[tilespmem:s22], [sflag:$0x3] =	stream.indirect_vreg.gather [hbm4b:s1+s3], $0x80, v4, vm0, $0xb8;
	[tilespmem:$0x1C100] =	vst v63  }
0x5b: {  	_ = 	snop  }
0x5c: {  	[tilespmem:s23], [sflag:$0x3] =	stream.indirect_vreg.gather [hbm4b:s5+s3], $0x80, v4, vm0, $0xb8;
	[tilespmem:$0x1C100] =	vst v63  }
0x5d: {  	_ = 	snop  }
0x5e: {  	[tilespmem:s24], [sflag:$0x3] =	stream.indirect_vreg.gather [hbm4b:s6+s3], $0x80, v4, vm0, $0xb8;
	[tilespmem:$0x1C100] =	vst v63  }
0x5f: {  	s9 =	simm.s32 $0x3900  }
0x60: {  	[tilespmem:s9], [sflag:$0x3] =	stream.indirect_vreg.gather [hbm4b:s7+s3], $0x80, v4, vm0, $0xb8;
	[tilespmem:$0x1C100] =	vst v63  }
0x61: {  	v4 =	vld [tilespmem:$0x10];
	_ =	sdelay $0x4  }
0x62: {  	v51 =	vadd.s32 v3, v4  }
0x63: {  	v52 =	vshll.u32 v51, $0x3  }
0x64: {  	v4 =	vand.u32 $0x7, v4;
	v6 =	vand.u32 $0xFFFFFFC0, v52  }
0x65: {  	v4 =	vor.u32 v4, v6  }
0x66: {  	v6 =	vperm.xlane v4, v0;
	_ =	sdelay $0x1  }
0x67: {  	v6 =	vadd.s32 v1, v6;
	_ =	sdelay $0x3  }
0x68: {  	[tilespmem:$0x10] =	vst v51  }
0x69: {  	[tilespmem:s10], [sflag:$0x4] =	stream.indirect_vreg.gather [hbm4b:s1+s3], $0x80, v6, vm0, $0xb8;
	[tilespmem:$0x1C100] =	vst v63  }
0x6a: {  	s17 =	rddreg [dreg:$0xf];
	v4 =	vperm.xlane v4, v2  }
0x6b: {  	[tilespmem:s17], [sflag:$0x4] =	stream.indirect_vreg.gather [hbm4b:s5+s3], $0x80, v6, vm0, $0xb8;
	[tilespmem:$0x1C100] =	vst v63  }
0x6c: {  	s18 =	rddreg [dreg:$0x10];
	v4 =	vadd.s32 v1, v4  }
0x6d: {  	[tilespmem:s18], [sflag:$0x4] =	stream.indirect_vreg.gather [hbm4b:s6+s3], $0x80, v6, vm0, $0xb8;
	[tilespmem:$0x1C100] =	vst v63  }
0x6e: {  	s17 =	rddreg [dreg:$0x11]  }
0x6f: {  	[tilespmem:s17], [sflag:$0x4] =	stream.indirect_vreg.gather [hbm4b:s7+s3], $0x80, v6, vm0, $0xb8;
	[tilespmem:$0x1C100] =	vst v63  }
0x70: {  	s18 =	rddreg [dreg:$0x12]  }
0x71: {  	[tilespmem:s18], [sflag:$0x4] =	stream.indirect_vreg.gather [hbm4b:s1+s3], $0x80, v4, vm0, $0xb8;
	[tilespmem:$0x1C100] =	vst v63  }
0x72: {  	s17 =	rddreg [dreg:$0x13]  }
0x73: {  	[tilespmem:s17], [sflag:$0x4] =	stream.indirect_vreg.gather [hbm4b:s5+s3], $0x80, v4, vm0, $0xb8;
	[tilespmem:$0x1C100] =	vst v63  }
0x74: {  	s18 =	rddreg [dreg:$0x14]  }
0x75: {  	[tilespmem:s18], [sflag:$0x4] =	stream.indirect_vreg.gather [hbm4b:s6+s3], $0x80, v4, vm0, $0xb8;
	[tilespmem:$0x1C100] =	vst v63  }
0x76: {  	s17 =	rddreg [dreg:$0x15]  }
0x77: {  	[tilespmem:s17], [sflag:$0x4] =	stream.indirect_vreg.gather [hbm4b:s7+s3], $0x80, v4, vm0, $0xb8;
	[tilespmem:$0x1C100] =	vst v63  }
0x78: {  	v4 =	vld [tilespmem:$0x20];
	_ =	sdelay $0x4  }
0x79: {  	v53 =	vadd.s32 v3, v4  }
0x7a: {  	v54 =	vshll.u32 v53, $0x3  }
0x7b: {  	v4 =	vand.u32 $0x7, v4;
	v6 =	vand.u32 $0xFFFFFFC0, v54  }
0x7c: {  	v4 =	vor.u32 v4, v6  }
0x7d: {  	v6 =	vperm.xlane v4, v0;
	_ =	sdelay $0x1  }
0x7e: {  	v6 =	vadd.s32 v1, v6;
	_ =	sdelay $0x3  }
0x7f: {  	[tilespmem:$0x20] =	vst v53  }
0x80: {  	[tilespmem:s28], [sflag:$0x5] =	stream.indirect_vreg.gather [hbm4b:s1+s3], $0x80, v6, vm0, $0xb8;
	[tilespmem:$0x1C100] =	vst v63  }
0x81: {  	s17 =	rddreg [dreg:$0x16];
	v4 =	vperm.xlane v4, v2  }
0x82: {  	[tilespmem:s17], [sflag:$0x5] =	stream.indirect_vreg.gather [hbm4b:s5+s3], $0x80, v6, vm0, $0xb8;
	[tilespmem:$0x1C100] =	vst v63  }
0x83: {  	s18 =	rddreg [dreg:$0x17];
	v4 =	vadd.s32 v1, v4  }
0x84: {  	[tilespmem:s18], [sflag:$0x5] =	stream.indirect_vreg.gather [hbm4b:s6+s3], $0x80, v6, vm0, $0xb8;
	[tilespmem:$0x1C100] =	vst v63  }
0x85: {  	s17 =	rddreg [dreg:$0x18]  }
0x86: {  	[tilespmem:s17], [sflag:$0x5] =	stream.indirect_vreg.gather [hbm4b:s7+s3], $0x80, v6, vm0, $0xb8;
	[tilespmem:$0x1C100] =	vst v63  }
0x87: {  	s18 =	rddreg [dreg:$0x19]  }
0x88: {  	[tilespmem:s18], [sflag:$0x5] =	stream.indirect_vreg.gather [hbm4b:s1+s3], $0x80, v4, vm0, $0xb8;
	[tilespmem:$0x1C100] =	vst v63  }
0x89: {  	s17 =	rddreg [dreg:$0x1a]  }
0x8a: {  	[tilespmem:s17], [sflag:$0x5] =	stream.indirect_vreg.gather [hbm4b:s5+s3], $0x80, v4, vm0, $0xb8;
	[tilespmem:$0x1C100] =	vst v63  }
0x8b: {  	s18 =	rddreg [dreg:$0x1b]  }
0x8c: {  	[tilespmem:s18], [sflag:$0x5] =	stream.indirect_vreg.gather [hbm4b:s6+s3], $0x80, v4, vm0, $0xb8;
	[tilespmem:$0x1C100] =	vst v63  }
0x8d: {  	s17 =	rddreg [dreg:$0x1c]  }
0x8e: {  	[tilespmem:s17], [sflag:$0x5] =	stream.indirect_vreg.gather [hbm4b:s7+s3], $0x80, v4, vm0, $0xb8;
	[tilespmem:$0x1C100] =	vst v63  }
0x8f: {  	v4 =	vld [tilespmem:$0x30];
	_ =	sdelay $0x4  }
0x90: {  	v55 =	vadd.s32 v3, v4  }
0x91: {  	v56 =	vshll.u32 v55, $0x3  }
0x92: {  	v4 =	vand.u32 $0x7, v4;
	v6 =	vand.u32 $0xFFFFFFC0, v56  }
0x93: {  	v4 =	vor.u32 v4, v6  }
0x94: {  	v6 =	vperm.xlane v4, v0;
	_ =	sdelay $0x1  }
0x95: {  	v6 =	vadd.s32 v1, v6;
	_ =	sdelay $0x3  }
0x96: {  	s18 =	rddreg [dreg:$0x1e];
	[tilespmem:$0x30] =	vst v55  }
0x97: {  	[tilespmem:s29], [sflag:$0x6] =	stream.indirect_vreg.gather [hbm4b:s1+s3], $0x80, v6, vm0, $0xb8;
	[tilespmem:$0x1C100] =	vst v63  }
0x98: {  	s17 =	rddreg [dreg:$0x1d];
	v4 =	vperm.xlane v4, v2  }
0x99: {  	[tilespmem:s17], [sflag:$0x6] =	stream.indirect_vreg.gather [hbm4b:s5+s3], $0x80, v6, vm0, $0xb8;
	[tilespmem:$0x1C100] =	vst v63  }
0x9a: {  	v4 =	vadd.s32 v1, v4;
	s17 =	rddreg [dreg:$0x1f]  }
0x9b: {  	[tilespmem:s18], [sflag:$0x6] =	stream.indirect_vreg.gather [hbm4b:s6+s3], $0x80, v6, vm0, $0xb8;
	[tilespmem:$0x1C100] =	vst v63  }
0x9c: {  	s18 =	sld [smem:$0x7E5]  }
0x9d: {  	[tilespmem:s17], [sflag:$0x6] =	stream.indirect_vreg.gather [hbm4b:s7+s3], $0x80, v6, vm0, $0xb8;
	[tilespmem:$0x1C100] =	vst v63  }
0x9e: {  	s17 =	sld [smem:$0x7E6]  }
0x9f: {  	[tilespmem:s18], [sflag:$0x6] =	stream.indirect_vreg.gather [hbm4b:s1+s3], $0x80, v4, vm0, $0xb8;
	[tilespmem:$0x1C100] =	vst v63  }
0xa0: {  	s18 =	sld [smem:$0x7E7]  }
0xa1: {  	[tilespmem:s17], [sflag:$0x6] =	stream.indirect_vreg.gather [hbm4b:s5+s3], $0x80, v4, vm0, $0xb8;
	[tilespmem:$0x1C100] =	vst v63  }
0xa2: {  	s17 =	sld [smem:$0x7E8]  }
0xa3: {  	[tilespmem:s18], [sflag:$0x6] =	stream.indirect_vreg.gather [hbm4b:s6+s3], $0x80, v4, vm0, $0xb8;
	[tilespmem:$0x1C100] =	vst v63  }
0xa4: {  	_ = 	snop  }
0xa5: {  	[tilespmem:s17], [sflag:$0x6] =	stream.indirect_vreg.gather [hbm4b:s7+s3], $0x80, v4, vm0, $0xb8;
	[tilespmem:$0x1C100] =	vst v63  }
0xa6: {  	v4 =	vld [tilespmem:$0x40];
	_ =	sdelay $0x4  }
0xa7: {  	v57 =	vadd.s32 v3, v4  }
0xa8: {  	v58 =	vshll.u32 v57, $0x3  }
0xa9: {  	v4 =	vand.u32 $0x7, v4;
	v6 =	vand.u32 $0xFFFFFFC0, v58  }
0xaa: {  	v4 =	vor.u32 v4, v6  }
0xab: {  	v6 =	vperm.xlane v4, v0;
	_ =	sdelay $0x1  }
0xac: {  	v6 =	vadd.s32 v1, v6;
	_ =	sdelay $0x3  }
0xad: {  	s17 =	sld [smem:$0x7E9];
	[tilespmem:$0x40] =	vst v57  }
0xae: {  	[tilespmem:s30], [sflag:$0x7] =	stream.indirect_vreg.gather [hbm4b:s1+s3], $0x80, v6, vm0, $0xb8;
	[tilespmem:$0x1C100] =	vst v63  }
0xaf: {  	s18 =	sld [smem:$0x7EA];
	v4 =	vperm.xlane v4, v2  }
0xb0: {  	[tilespmem:s17], [sflag:$0x7] =	stream.indirect_vreg.gather [hbm4b:s5+s3], $0x80, v6, vm0, $0xb8;
	[tilespmem:$0x1C100] =	vst v63  }
0xb1: {  	v4 =	vadd.s32 v1, v4;
	s17 =	sld [smem:$0x7EB]  }
0xb2: {  	[tilespmem:s18], [sflag:$0x7] =	stream.indirect_vreg.gather [hbm4b:s6+s3], $0x80, v6, vm0, $0xb8;
	[tilespmem:$0x1C100] =	vst v63  }
0xb3: {  	s18 =	sld [smem:$0x7EC]  }
0xb4: {  	[tilespmem:s17], [sflag:$0x7] =	stream.indirect_vreg.gather [hbm4b:s7+s3], $0x80, v6, vm0, $0xb8;
	[tilespmem:$0x1C100] =	vst v63  }
0xb5: {  	s17 =	sld [smem:$0x7ED]  }
0xb6: {  	[tilespmem:s18], [sflag:$0x7] =	stream.indirect_vreg.gather [hbm4b:s1+s3], $0x80, v4, vm0, $0xb8;
	[tilespmem:$0x1C100] =	vst v63  }
0xb7: {  	s18 =	sld [smem:$0x7EE]  }
0xb8: {  	[tilespmem:s17], [sflag:$0x7] =	stream.indirect_vreg.gather [hbm4b:s5+s3], $0x80, v4, vm0, $0xb8;
	[tilespmem:$0x1C100] =	vst v63  }
0xb9: {  	s17 =	sld [smem:$0x7EF]  }
0xba: {  	[tilespmem:s18], [sflag:$0x7] =	stream.indirect_vreg.gather [hbm4b:s6+s3], $0x80, v4, vm0, $0xb8;
	[tilespmem:$0x1C100] =	vst v63  }
0xbb: {  	_ = 	snop  }
0xbc: {  	[tilespmem:s17], [sflag:$0x7] =	stream.indirect_vreg.gather [hbm4b:s7+s3], $0x80, v4, vm0, $0xb8;
	[tilespmem:$0x1C100] =	vst v63  }
0xbd: {  	v4 =	vld [tilespmem:$0x50];
	_ =	sdelay $0x4  }
0xbe: {  	v59 =	vadd.s32 v3, v4  }
0xbf: {  	v60 =	vshll.u32 v59, $0x3  }
0xc0: {  	v4 =	vand.u32 $0x7, v4;
	v6 =	vand.u32 $0xFFFFFFC0, v60  }
0xc1: {  	v4 =	vor.u32 v4, v6  }
0xc2: {  	v6 =	vperm.xlane v4, v0;
	_ =	sdelay $0x1  }
0xc3: {  	v6 =	vadd.s32 v1, v6;
	_ =	sdelay $0x3  }
0xc4: {  	s17 =	sld [smem:$0x7F0];
	[tilespmem:$0x50] =	vst v59  }
0xc5: {  	[tilespmem:s31], [sflag:$0x8] =	stream.indirect_vreg.gather [hbm4b:s1+s3], $0x80, v6, vm0, $0xb8;
	[tilespmem:$0x1C100] =	vst v63  }
0xc6: {  	s18 =	sld [smem:$0x7F1];
	v4 =	vperm.xlane v4, v2  }
0xc7: {  	[tilespmem:s17], [sflag:$0x8] =	stream.indirect_vreg.gather [hbm4b:s5+s3], $0x80, v6, vm0, $0xb8;
	[tilespmem:$0x1C100] =	vst v63  }
0xc8: {  	v4 =	vadd.s32 v1, v4;
	s17 =	sld [smem:$0x7F2]  }
0xc9: {  	[tilespmem:s18], [sflag:$0x8] =	stream.indirect_vreg.gather [hbm4b:s6+s3], $0x80, v6, vm0, $0xb8;
	[tilespmem:$0x1C100] =	vst v63  }
0xca: {  	s18 =	sld [smem:$0x7F3]  }
0xcb: {  	[tilespmem:s17], [sflag:$0x8] =	stream.indirect_vreg.gather [hbm4b:s7+s3], $0x80, v6, vm0, $0xb8;
	[tilespmem:$0x1C100] =	vst v63  }
0xcc: {  	s17 =	sld [smem:$0x7F4]  }
0xcd: {  	[tilespmem:s18], [sflag:$0x8] =	stream.indirect_vreg.gather [hbm4b:s1+s3], $0x80, v4, vm0, $0xb8;
	[tilespmem:$0x1C100] =	vst v63  }
0xce: {  	s18 =	sld [smem:$0x7F5]  }
0xcf: {  	[tilespmem:s17], [sflag:$0x8] =	stream.indirect_vreg.gather [hbm4b:s5+s3], $0x80, v4, vm0, $0xb8;
	[tilespmem:$0x1C100] =	vst v63  }
0xd0: {  	s17 =	sld [smem:$0x7F6]  }
0xd1: {  	[tilespmem:s18], [sflag:$0x8] =	stream.indirect_vreg.gather [hbm4b:s6+s3], $0x80, v4, vm0, $0xb8;
	[tilespmem:$0x1C100] =	vst v63  }
0xd2: {  	_ = 	snop  }
0xd3: {  	[tilespmem:s17], [sflag:$0x8] =	stream.indirect_vreg.gather [hbm4b:s7+s3], $0x80, v4, vm0, $0xb8;
	[tilespmem:$0x1C100] =	vst v63  }
0xd4: {  	v4 =	vld [tilespmem:$0x60];
	_ =	sdelay $0x4  }
0xd5: {  	v61 =	vadd.s32 v3, v4  }
0xd6: {  	v62 =	vshll.u32 v61, $0x3  }
0xd7: {  	v4 =	vand.u32 $0x7, v4;
	v6 =	vand.u32 $0xFFFFFFC0, v62  }
0xd8: {  	v4 =	vor.u32 v4, v6  }
0xd9: {  	v6 =	vperm.xlane v4, v0;
	_ =	sdelay $0x1  }
0xda: {  	v6 =	vadd.s32 v1, v6;
	_ =	sdelay $0x3  }
0xdb: {  	s17 =	sld [smem:$0x7F7];
	[tilespmem:$0x60] =	vst v61  }
0xdc: {  	[tilespmem:s0], [sflag:$0x9] =	stream.indirect_vreg.gather [hbm4b:s1+s3], $0x80, v6, vm0, $0xb8;
	[tilespmem:$0x1C100] =	vst v63  }
0xdd: {  	s18 =	sld [smem:$0x7F8];
	v4 =	vperm.xlane v4, v2  }
0xde: {  	[tilespmem:s17], [sflag:$0x9] =	stream.indirect_vreg.gather [hbm4b:s5+s3], $0x80, v6, vm0, $0xb8;
	[tilespmem:$0x1C100] =	vst v63  }
0xdf: {  	v4 =	vadd.s32 v1, v4;
	s17 =	sld [smem:$0x7F9]  }
0xe0: {  	[tilespmem:s18], [sflag:$0x9] =	stream.indirect_vreg.gather [hbm4b:s6+s3], $0x80, v6, vm0, $0xb8;
	[tilespmem:$0x1C100] =	vst v63  }
0xe1: {  	s18 =	sld [smem:$0x7FA]  }
0xe2: {  	[tilespmem:s17], [sflag:$0x9] =	stream.indirect_vreg.gather [hbm4b:s7+s3], $0x80, v6, vm0, $0xb8;
	[tilespmem:$0x1C100] =	vst v63  }
0xe3: {  	s17 =	sld [smem:$0x7FB]  }
0xe4: {  	[tilespmem:s18], [sflag:$0x9] =	stream.indirect_vreg.gather [hbm4b:s1+s3], $0x80, v4, vm0, $0xb8;
	[tilespmem:$0x1C100] =	vst v63  }
0xe5: {  	s18 =	sld [smem:$0x7FC]  }
0xe6: {  	[tilespmem:s17], [sflag:$0x9] =	stream.indirect_vreg.gather [hbm4b:s5+s3], $0x80, v4, vm0, $0xb8;
	[tilespmem:$0x1C100] =	vst v63  }
0xe7: {  	s17 =	sld [smem:$0x7FD]  }
0xe8: {  	[tilespmem:s18], [sflag:$0x9] =	stream.indirect_vreg.gather [hbm4b:s6+s3], $0x80, v4, vm0, $0xb8;
	[tilespmem:$0x1C100] =	vst v63  }
0xe9: {  	_ = 	snop  }
0xea: {  	[tilespmem:s17], [sflag:$0x9] =	stream.indirect_vreg.gather [hbm4b:s7+s3], $0x80, v4, vm0, $0xb8;
	[tilespmem:$0x1C100] =	vst v63  }
0xeb: {  	v4 =	vld [tilespmem:$0x70];
	_ =	sdelay $0x4  }
0xec: {  	v3 =	vadd.s32 v3, v4  }
0xed: {  	[tilespmem:$0x70] =	vst v3  }
0xee: {  	_ =	swait.ge [sflag:s25], $0x4000  }
0xef: {  	s18 =	sld [smem:$0x7E4]  }
0xf0: {  	[sflag:s25] =	ssyncset.done $0x0  }
0xf1: {  	[sflag:s25] =	ssyncadd.s32 $0xFFFFC000  }
0xf2: {  	[hbm4b:s18+s3] =	stream.linear.scatter [tilespmem:s11], [sflag:$0xA], $0x4000, $0x38;
	[tilespmem:$0x1C100] =	vst v63  }
0xf3: {  	_ =	swait.ge [sflag:s26], $0x4000  }
0xf4: {  	[sflag:s26] =	ssyncset.done $0x0  }
0xf5: {  	[sflag:s26] =	ssyncadd.s32 $0xFFFFC000  }
0xf6: {  	v3 =	vld [tilespmem:$0x70];
	_ =	sdelay $0x4  }
0xf7: {  	v63 =	vshll.u32 v3, $0x3  }
0xf8: {  	v3 =	vand.u32 $0x7, v3;
	v4 =	vand.u32 $0xFFFFFFC0, v63  }
0xf9: {  	v3 =	vor.u32 v3, v4  }
0xfa: {  	v4 =	vperm.xlane v3, v0;
	_ =	sdelay $0x1  }
0xfb: {  	v4 =	vadd.s32 v1, v4;
	_ =	sdelay $0x4  }
0xfc: {  	[tilespmem:s11], [sflag:$0x3] =	stream.indirect_vreg.gather [hbm4b:s1+s3], $0x80, v4, vm0, $0xb8;
	[tilespmem:$0x1C100] =	vst v63  }
0xfd: {  	v3 =	vperm.xlane v3, v2  }
0xfe: {  	[tilespmem:s19], [sflag:$0x3] =	stream.indirect_vreg.gather [hbm4b:s5+s3], $0x80, v4, vm0, $0xb8;
	[tilespmem:$0x1C100] =	vst v63  }
0xff: {  	v3 =	vadd.s32 v1, v3  }
0x100: {  	[tilespmem:s20], [sflag:$0x3] =	stream.indirect_vreg.gather [hbm4b:s6+s3], $0x80, v4, vm0, $0xb8;
	[tilespmem:$0x1C100] =	vst v63  }
0x101: {  	_ = 	snop  }
0x102: {  	[tilespmem:s21], [sflag:$0x3] =	stream.indirect_vreg.gather [hbm4b:s7+s3], $0x80, v4, vm0, $0xb8;
	[tilespmem:$0x1C100] =	vst v63  }
0x103: {  	_ = 	snop  }
0x104: {  	[tilespmem:s22], [sflag:$0x3] =	stream.indirect_vreg.gather [hbm4b:s1+s3], $0x80, v3, vm0, $0xb8;
	[tilespmem:$0x1C100] =	vst v63  }
0x105: {  	_ = 	snop  }
0x106: {  	[tilespmem:s23], [sflag:$0x3] =	stream.indirect_vreg.gather [hbm4b:s5+s3], $0x80, v3, vm0, $0xb8;
	[tilespmem:$0x1C100] =	vst v63  }
0x107: {  	_ = 	snop  }
0x108: {  	[tilespmem:s24], [sflag:$0x3] =	stream.indirect_vreg.gather [hbm4b:s6+s3], $0x80, v3, vm0, $0xb8;
	[tilespmem:$0x1C100] =	vst v63  }
0x109: {  	s18 =	simm.s32 $0x4  }
0x10a: {  	[tilespmem:s9], [sflag:$0x3] =	stream.indirect_vreg.gather [hbm4b:s7+s3], $0x80, v3, vm0, $0xb8;
	[tilespmem:$0x1C100] =	vst v63  }
0x10b: {  	_ =	swait.ge [sflag:s18], $0x4000  }
0x10c: {  	[sflag:s18] =	ssyncset.done $0x0  }
0x10d: {  	s19 =	rddreg [dreg:$0x7];
	[sflag:s18] =	ssyncadd.s32 $0xFFFFC000;
	s18 =	simm.s32 $0x5  }
0x10e: {  	[hbm4b:s19+s3] =	stream.linear.scatter [tilespmem:s10], [sflag:$0xB], $0x4000, $0x38;
	[tilespmem:$0x1C100] =	vst v63  }
0x10f: {  	_ =	swait.ge [sflag:s18], $0x4000  }
0x110: {  	[sflag:s18] =	ssyncset.done $0x0  }
0x111: {  	s19 =	rddreg [dreg:$0x8];
	[sflag:s18] =	ssyncadd.s32 $0xFFFFC000;
	s18 =	simm.s32 $0x6  }
0x112: {  	[hbm4b:s19+s3] =	stream.linear.scatter [tilespmem:s28], [sflag:$0xC], $0x4000, $0x38;
	[tilespmem:$0x1C100] =	vst v63  }
0x113: {  	_ =	swait.ge [sflag:s18], $0x4000  }
0x114: {  	[sflag:s18] =	ssyncset.done $0x0  }
0x115: {  	s19 =	rddreg [dreg:$0x9];
	[sflag:s18] =	ssyncadd.s32 $0xFFFFC000;
	s18 =	simm.s32 $0x7  }
0x116: {  	[hbm4b:s19+s3] =	stream.linear.scatter [tilespmem:s29], [sflag:$0xD], $0x4000, $0x38;
	[tilespmem:$0x1C100] =	vst v63  }
0x117: {  	_ =	swait.ge [sflag:s18], $0x4000  }
0x118: {  	[sflag:s18] =	ssyncset.done $0x0  }
0x119: {  	s19 =	rddreg [dreg:$0xa];
	[sflag:s18] =	ssyncadd.s32 $0xFFFFC000;
	s18 =	simm.s32 $0x8  }
0x11a: {  	[hbm4b:s19+s3] =	stream.linear.scatter [tilespmem:s30], [sflag:$0xE], $0x4000, $0x38;
	[tilespmem:$0x1C100] =	vst v63  }
0x11b: {  	_ =	swait.ge [sflag:s18], $0x4000  }
0x11c: {  	[sflag:s18] =	ssyncset.done $0x0  }
0x11d: {  	s19 =	rddreg [dreg:$0xb];
	[sflag:s18] =	ssyncadd.s32 $0xFFFFC000  }
0x11e: {  	[hbm4b:s19+s3] =	stream.linear.scatter [tilespmem:s31], [sflag:$0xF], $0x4000, $0x38;
	[tilespmem:$0x1C100] =	vst v63  }
0x11f: {  	_ =	swait.ge [sflag:s2], $0x4000  }
0x120: {  	[sflag:s2] =	ssyncset.done $0x0  }
0x121: {  	s18 =	rddreg [dreg:$0xc];
	[sflag:s2] =	ssyncadd.s32 $0xFFFFC000  }
0x122: {  	[hbm4b:s18+s3] =	stream.linear.scatter [tilespmem:s0], [sflag:$0x10], $0x4000, $0x38;
	[tilespmem:$0x1C100] =	vst v63  }
0x123: {  	_ =	swait.ge [sflag:s25], $0x4000  }
0x124: {  	[sflag:s25] =	ssyncset.done $0x0  }
0x125: {  	s19 =	rddreg [dreg:$0xd];
	[sflag:s25] =	ssyncadd.s32 $0xFFFFC000  }
0x126: {  	[hbm4b:s19+s3] =	stream.linear.scatter [tilespmem:s11], [sflag:$0xA], $0x4000, $0x38;
	[tilespmem:$0x1C100] =	vst v63  }
0x127: {  	_ =	swait.ge [sflag:s4], $0x4000  }
0x128: {  	[sflag:s4] =	ssyncset.done $0x0  }
0x129: {  	[sflag:s4] =	ssyncadd.s32 $0xFFFFC000  }
0x12a: {  	_ =	swait.ge [sflag:s12], $0x4000  }
0x12b: {  	[sflag:s12] =	ssyncset.done $0x0  }
0x12c: {  	[sflag:s12] =	ssyncadd.s32 $0xFFFFC000  }
0x12d: {  	_ =	swait.ge [sflag:s13], $0x4000  }
0x12e: {  	[sflag:s13] =	ssyncset.done $0x0  }
0x12f: {  	[sflag:s13] =	ssyncadd.s32 $0xFFFFC000  }
0x130: {  	_ =	swait.ge [sflag:s14], $0x4000  }
0x131: {  	[sflag:s14] =	ssyncset.done $0x0  }
0x132: {  	[sflag:s14] =	ssyncadd.s32 $0xFFFFC000  }
0x133: {  	_ =	swait.ge [sflag:s15], $0x4000  }
0x134: {  	[sflag:s15] =	ssyncset.done $0x0  }
0x135: {  	[sflag:s15] =	ssyncadd.s32 $0xFFFFC000  }
0x136: {  	p0 =	sne.s32 s8, $0x1;
	_ =	swait.ge [sflag:s16], $0x4000  }
.Ltmp0:
0x137: {  	[sflag:s16] =	ssyncset.done $0x0;
	(pc) =	sbr.rel @p0 .LBB2_1-.Ltmp0, $4  }
0x138: {  	[sflag:s16] =	ssyncadd.s32 $0xFFFFC000  }
0x139: {  	_ =	swait.ge [sflag:s26], $0x4000  }
0x13a: {  	[sflag:s26] =	ssyncset.done $0x0  }
0x13b: {  	s8 =	sadd.s32 $0xFFFFFFFF, s8;
	[sflag:s26] =	ssyncadd.s32 $0xFFFFC000  }
0x13c: {  	_ =	sfence.sel $0x180000  }
0x13d: {  	[bflag:$0x0] =	sbarrier.arrive $0xFFFF  }
0x13e: {  	_ =	strace $0x90000047  }
0x13f: {  	s0 =	stileid.u32;
	[bflag:$0x2] =	sbarrier.arrive $0xFFFF  }
0x140: {  	p0 =	sne.s32 s0, $0x0;
	s0 =	rddreg [dreg:$0x4]  }
0x141: {  	s0 =	sadd.s32 @!p0 $0x100000, s0  }
0x142: {  	[sflag:s0] =	ssyncadd.tile.s32 @!p0 $0x1;
	_ =	shalt  }
.Lfunc_end2:
_tile_overlayer_lowered:
.L_overlay_start_2:
0x143: {  	(tag) =	ssettag $0x2  }
0x144: {  	s0 =	rddreg [dreg:$0x0];
	s2 =	stileid.u32  }
0x145: {  	s1 =	rddreg [dreg:$0x1];
	p0 =	sne.s32 s2, $0x0  }
0x146: {  	s3 =	rddreg [dreg:$0x2];
	[bflag:$0x3] =	sbarrier.arrive $0xFFFF;
	s2 =	simm.s32 @!p0 $0x1C11  }
0x147: {  	[timem:s3], [sflag:s2] =	dma.local @!p0 [hbm:s0], s1  }
0x148: {  	s0 =	simm.s32 @!p0 $0x11  }
0x149: {  	_ =	swait.ge @!p0 [sflag:s0], s1  }
0x14a: {  	s1 =	ssub.s32 @!p0 $0x0, s1;
	[sflag:s0] =	ssyncset.done @!p0 $0x0  }
0x14b: {  	[sflag:s0] =	ssyncadd.s32 @!p0 s1  }
0x14c: {  	[bflag:$0x3] =	sbarrier.arrive $0xFFFF  }
0x14d: {  	_ =	shalt  }

</sc_bundles>
